<compile_context>
chip_gen: v7x
topology: tpu7x:2x2x1
jax: 0.10.2.dev20260603
libtpu: 0.0.44.dev20260713+nightly
codegen_flags: <defaults>
</compile_context>

<pallas_src>
import functools

import jax
import jax.numpy as jnp
from jax import lax
from jax.experimental import pallas as pl
from jax.experimental.pallas import tpu as pltpu
from jax.experimental.pallas import tpu_sc as plsc

N = 1_600_000
C = 32
B = 1024
RN = 16384
NB = (N + RN - 1) // RN
NW = 32
LANES = 16
UNIT = 128
NUNITS = N // UNIT
BASE_UNITS = NUNITS // NW
EXTRA = NUNITS - BASE_UNITS * NW
SUB = 16384
UNITS_PER_SUB = SUB // UNIT
NF = BASE_UNITS // UNITS_PER_SUB
UNROLL = 8
SKEW = B + LANES + 1
_ZG = LANES * UNROLL
ACCW = ((LANES * SKEW + _ZG - 1) // _ZG) * _ZG


def _tc_main(c_ref, v0_ref, w_ref, bi_ref, p_ref, pk_ref):
    x = c_ref[...]
    e = jnp.exp(x)
    s = jnp.sum(e, axis=0, keepdims=True)
    p = e * (1.0 / s)
    p_ref[...] = p
    q = jnp.exp(p)
    lse2 = jnp.log(jnp.sum(q, axis=0, keepdims=True))
    oh = lax.broadcasted_iota(jnp.int32, (C, RN), 0) == v0_ref[...].reshape(1, RN)
    pv0 = jnp.sum(jnp.where(oh, p, 0.0), axis=0, keepdims=True)
    w = w_ref[...].astype(jnp.float32)
    lw = ((lse2 - pv0) * w.reshape(1, RN)).reshape(RN)
    bits = lax.bitcast_convert_type(lw, jnp.uint32) + jnp.uint32(0x8000)
    pk_ref[...] = (bi_ref[...].astype(jnp.uint32) << 16) | (bits >> 16)


def _sc_seg_body(pk_hbm, sums_hbm, cnts_hbm,
                 pk_b0, pk_b1, pk_t, acc_s, acc_c, out_s, out_c, sem0, sem1):
    wid = lax.axis_index("s") * 2 + lax.axis_index("c")
    lane_base = lax.iota(jnp.int32, LANES) * SKEW
    one = jnp.full((LANES,), 1.0, jnp.float32)
    zero = jnp.zeros((LANES,), jnp.float32)

    def zero_body(i, _):
        for u in range(UNROLL):
            acc_s[pl.ds((i * UNROLL + u) * LANES, LANES)] = zero
            acc_c[pl.ds((i * UNROLL + u) * LANES, LANES)] = zero
        return 0

    lax.fori_loop(0, ACCW // (LANES * UNROLL), zero_body, 0)

    u0 = wid * BASE_UNITS + jnp.minimum(wid, EXTRA)
    nu = BASE_UNITS + (wid < EXTRA).astype(jnp.int32)
    e0 = u0 * UNIT
    rem = nu - NF * UNITS_PER_SUB

    bufs = [pk_b0, pk_b1]
    sems = [sem0, sem1]

    def scat(o, pk_ref):
        v = pk_ref[pl.ds(o, LANES)]
        idx = lax.convert_element_type(v >> 16, jnp.int32)
        lwv = plsc.bitcast(v << 16, jnp.float32)
        cv = jnp.where(lwv != 0.0, one, zero)
        addr = idx + lane_base
        plsc.addupdate_scatter(acc_s, [addr], lwv)
        plsc.addupdate_scatter(acc_c, [addr], cv)

    pending = pltpu.async_copy(pk_hbm.at[pl.ds(e0, SUB)], bufs[0], sems[0])
    for f in range(NF):
        cur = f % 2
        nxt = None
        if f + 1 < NF:
            nxt = pltpu.async_copy(
                pk_hbm.at[pl.ds(e0 + (f + 1) * SUB, SUB)], bufs[1 - cur],
                sems[1 - cur])
        pending.wait()
        pending = nxt
        pk_ref = bufs[cur]

        def vbody(k, _):
            for u in range(UNROLL):
                scat((k * UNROLL + u) * LANES, pk_ref)
            return 0

        lax.fori_loop(0, SUB // (LANES * UNROLL), vbody, 0)

    def tail_body(tu, _):
        base = e0 + NF * SUB + tu * UNIT
        pltpu.sync_copy(pk_hbm.at[pl.ds(base, UNIT)], pk_t)

        def vbody(k, _):
            scat(k * LANES, pk_t)
            return 0

        lax.fori_loop(0, UNIT // LANES, vbody, 0)
        return 0

    lax.fori_loop(0, rem, tail_body, 0)

    def red_body(cc, _):
        o = cc * LANES
        ssum = jnp.zeros((LANES,), jnp.float32)
        csum = jnp.zeros((LANES,), jnp.float32)
        for l in range(LANES):
            ssum = ssum + acc_s[pl.ds(l * SKEW + o, LANES)]
            csum = csum + acc_c[pl.ds(l * SKEW + o, LANES)]
        out_s[pl.ds(o, LANES)] = ssum
        out_c[pl.ds(o, LANES)] = csum
        return 0

    lax.fori_loop(0, B // LANES, red_body, 0)

    pltpu.sync_copy(out_s, sums_hbm.at[wid])
    pltpu.sync_copy(out_c, cnts_hbm.at[wid])


@functools.cache
def _build_sc_seg():
    mesh = plsc.VectorSubcoreMesh(core_axis_name="c", subcore_axis_name="s")
    return pl.kernel(
        _sc_seg_body,
        mesh=mesh,
        compiler_params=pltpu.CompilerParams(needs_layout_passes=False),
        out_type=[
            jax.ShapeDtypeStruct((NW, B), jnp.float32),
            jax.ShapeDtypeStruct((NW, B), jnp.float32),
        ],
        scratch_types=[
            pltpu.VMEM((SUB,), jnp.uint32),
            pltpu.VMEM((SUB,), jnp.uint32),
            pltpu.VMEM((UNIT,), jnp.uint32),
            pltpu.VMEM((ACCW,), jnp.float32),
            pltpu.VMEM((ACCW,), jnp.float32),
            pltpu.VMEM((B,), jnp.float32),
            pltpu.VMEM((B,), jnp.float32),
            pltpu.SemaphoreType.DMA,
            pltpu.SemaphoreType.DMA,
        ],
    )


def _tc_combine(s_ref, c_ref, o_ref):
    s = jnp.sum(s_ref[...], axis=0, keepdims=True)
    c = jnp.sum(c_ref[...], axis=0, keepdims=True)
    loss = jnp.where(c > 0.0, s / jnp.maximum(c, 1.0), 0.0)
    o_ref[...] = jnp.sum(loss, axis=1, keepdims=True) * (1.0 / B)


def kernel(c_pred, v0, vt, t, gen_flag, batch_idx):
    w = gen_flag.astype(jnp.int8)
    ct = c_pred.T
    pt, pk = pl.pallas_call(
        _tc_main,
        grid=(NB,),
        in_specs=[
            pl.BlockSpec((C, RN), lambda i: (0, i)),
            pl.BlockSpec((RN,), lambda i: (i,)),
            pl.BlockSpec((RN,), lambda i: (i,)),
            pl.BlockSpec((RN,), lambda i: (i,)),
        ],
        out_specs=[
            pl.BlockSpec((C, RN), lambda i: (0, i)),
            pl.BlockSpec((RN,), lambda i: (i,)),
        ],
        out_shape=[
            jax.ShapeDtypeStruct((C, N), jnp.float32),
            jax.ShapeDtypeStruct((N,), jnp.uint32),
        ],
    )(ct, v0, w, batch_idx.astype(jnp.int32))
    p = pt.T

    sums, cnts = _build_sc_seg()(pk)

    loss_mean = pl.pallas_call(
        _tc_combine,
        out_shape=jax.ShapeDtypeStruct((1, 1), jnp.float32),
    )(sums, cnts)

    return (loss_mean.reshape(()), v0, vt, p, gen_flag)

# --- scband reference (transcript-rebuilt; emitter-appended) ---
"""Pipeline reference for scband-mask-type-schedule-29618094473605 (READ-ONLY COPY).

The authoritative reference and input builder live on the scoring server;
editing this copy changes nothing except your own understanding.
"""

import jax, jax.numpy as jnp
import numpy as np

NUM_TIMESTEP = 1000
NUM_CLASSES = 32
ABSORBING_STATE = 31
N = 1600000
B = 1024


def setup_inputs(seed: int = 0) -> dict:
    key = jax.random.key(seed)
    k1, k2, k3, k4, k5, k6 = jax.random.split(key, 6)
    c_pred = jax.random.normal(k1, (N, NUM_CLASSES), dtype=jnp.float32)
    v0 = jax.random.randint(k2, (N,), 0, NUM_CLASSES)
    vt = jax.random.randint(k3, (N,), 0, NUM_CLASSES)
    t = jax.random.randint(k4, (B,), 0, NUM_TIMESTEP)
    gen_flag = jax.random.randint(k5, (N,), 0, 2).astype(jnp.bool_)
    batch_idx = jnp.sort(jax.random.randint(k6, (N,), 0, B))
    return {"c_pred": c_pred, "v0": v0, "vt": vt, "t": t, "gen_flag": gen_flag, "batch_idx": batch_idx}


def reference(c_pred, v0, vt, t, gen_flag, batch_idx):
    # get_loss with pred_logit=True
    # NOTE: faithful to the torch code, which applies softmax and then
    # F.cross_entropy (which itself applies log_softmax) on the probabilities.
    p = jax.nn.softmax(c_pred, axis=-1)
    logp = jax.nn.log_softmax(p, axis=-1)
    # per-element cross entropy with integer targets, reduction='none'
    loss_v = -jnp.take_along_axis(logp, v0[:, None], axis=1)[:, 0]
    # scatter_mean(loss_v[gen_flag], batch_idx[gen_flag]) implemented with
    # masked segment sums to keep shapes static.
    w = gen_flag.astype(jnp.float32)
    seg_sum = jax.ops.segment_sum(loss_v * w, batch_idx, num_segments=B)
    seg_cnt = jax.ops.segment_sum(w, batch_idx, num_segments=B)
    loss = jnp.where(seg_cnt > 0, seg_sum / jnp.maximum(seg_cnt, 1.0), 0.0)
    # len(loss) == B > 0 always here, so the empty-loss fallback branch is dead.
    loss_mean = loss.mean()
    # type_info returned as flat arrays: v0, vt, c_pred (post-softmax), mask_gen
    return (loss_mean, v0, vt, p, gen_flag)

if __name__ == "__main__":
    import jax
    _d = setup_inputs()
    print(jax.jit(kernel)(*tuple(_d.values())))

</pallas_src>

<mosaic_0001>
#map = affine_map<(d0, d1) -> (0)>
#map1 = affine_map<(d0, d1) -> (0, 0)>
module attributes {stable_mosaic.version = 14 : i64} {
  func.func @_sc_seg_body(%arg0: i32, %arg1: i32, %arg2: memref<1600000xi32, #tpu.memory_space<hbm>>, %arg3: memref<32x1024xf32, #tpu.memory_space<hbm>>, %arg4: memref<32x1024xf32, #tpu.memory_space<hbm>>, %arg5: memref<16384xi32, #tpu.memory_space<vmem>>, %arg6: memref<16384xi32, #tpu.memory_space<vmem>>, %arg7: memref<128xi32, #tpu.memory_space<vmem>>, %arg8: memref<16768xf32, #tpu.memory_space<vmem>>, %arg9: memref<16768xf32, #tpu.memory_space<vmem>>, %arg10: memref<1024xf32, #tpu.memory_space<vmem>>, %arg11: memref<1024xf32, #tpu.memory_space<vmem>>, %arg12: memref<!tpu.dma_semaphore, #tpu.memory_space<semaphore_mem>>, %arg13: memref<!tpu.dma_semaphore, #tpu.memory_space<semaphore_mem>>) attributes {dimension_semantics = [#tpu.dimension_semantics<core_parallel>, #tpu.dimension_semantics<subcore_parallel>], iteration_bounds = array<i64: 2, 16>, scalar_prefetch = 0 : i64, scratch_operands = 9 : i64, tpu.core_type = #tpu.core_type<sc_vector_subcore>, window_params = [{transform_indices = #map}, {transform_indices = #map1}, {transform_indices = #map1}]} {
    %mul3A = arith.constant 2 : i32
    %mul3A_0 = arith.muli %arg1, %mul3A : i32
    %add3A = arith.addi %mul3A_0, %arg0 : i32
    %iota3A = tpu.iota {dimensions = array<i32: 0>} : vector<16xi32>
    %mul3A_1 = arith.constant 1041 : i32
    %mul3A_2 = vector.broadcast %mul3A_1 : i32 to vector<16xi32>
    %mul3A_3 = arith.muli %iota3A, %mul3A_2 : vector<16xi32>
    %broadcast_in_dim3A = arith.constant 1.000000e+00 : f32
    %broadcast_in_dim3A_4 = vector.broadcast %broadcast_in_dim3A : f32 to vector<16xf32>
    %broadcast_in_dim3A_5 = arith.constant 0.000000e+00 : f32
    %broadcast_in_dim3A_6 = vector.broadcast %broadcast_in_dim3A_5 : f32 to vector<16xf32>
    %scan3A = arith.constant 0 : i32
    %scan3A_7 = arith.constant 0 : i32
    %scan3A_8 = arith.constant 131 : i32
    %scan3A_9 = arith.addi %scan3A_7, %scan3A_8 : i32
    %scan3A_10 = arith.constant 1 : i32
    %scan3A_11 = scf.for %scan3A_76 = %scan3A_7 to %scan3A_9 step %scan3A_10 iter_args(%scan3A_77 = %scan3A) -> (i32)  : i32 {
      %mul3A_78 = arith.constant 8 : i32
      %mul3A_79 = arith.muli %scan3A_76, %mul3A_78 : i32
      %add3A_80 = arith.constant 0 : i32
      %add3A_81 = arith.addi %mul3A_79, %add3A_80 : i32
      %mul3A_82 = arith.constant 16 : i32
      %mul3A_83 = arith.muli %add3A_81, %mul3A_82 : i32
      %swap3A = arith.index_cast %mul3A_83 : i32 to index
      %swap3A_84 = tpu.vector_load %arg8[%swap3A] {strides = array<i32>} : memref<16768xf32, #tpu.memory_space<vmem>>, vector<16xf32>,
      tpu.vector_store %arg8[%swap3A], %broadcast_in_dim3A_6 {strides = array<i32>} : memref<16768xf32, #tpu.memory_space<vmem>>, vector<16xf32>,
      %mul3A_85 = arith.constant 8 : i32
      %mul3A_86 = arith.muli %scan3A_76, %mul3A_85 : i32
      %add3A_87 = arith.constant 0 : i32
      %add3A_88 = arith.addi %mul3A_86, %add3A_87 : i32
      %mul3A_89 = arith.constant 16 : i32
      %mul3A_90 = arith.muli %add3A_88, %mul3A_89 : i32
      %swap3A_91 = arith.index_cast %mul3A_90 : i32 to index
      %swap3A_92 = tpu.vector_load %arg9[%swap3A_91] {strides = array<i32>} : memref<16768xf32, #tpu.memory_space<vmem>>, vector<16xf32>,
      tpu.vector_store %arg9[%swap3A_91], %broadcast_in_dim3A_6 {strides = array<i32>} : memref<16768xf32, #tpu.memory_space<vmem>>, vector<16xf32>,
      %mul3A_93 = arith.constant 8 : i32
      %mul3A_94 = arith.muli %scan3A_76, %mul3A_93 : i32
      %add3A_95 = arith.constant 1 : i32
      %add3A_96 = arith.addi %mul3A_94, %add3A_95 : i32
      %mul3A_97 = arith.constant 16 : i32
      %mul3A_98 = arith.muli %add3A_96, %mul3A_97 : i32
      %swap3A_99 = arith.index_cast %mul3A_98 : i32 to index
      %swap3A_100 = tpu.vector_load %arg8[%swap3A_99] {strides = array<i32>} : memref<16768xf32, #tpu.memory_space<vmem>>, vector<16xf32>,
      tpu.vector_store %arg8[%swap3A_99], %broadcast_in_dim3A_6 {strides = array<i32>} : memref<16768xf32, #tpu.memory_space<vmem>>, vector<16xf32>,
      %mul3A_101 = arith.constant 8 : i32
      %mul3A_102 = arith.muli %scan3A_76, %mul3A_101 : i32
      %add3A_103 = arith.constant 1 : i32
      %add3A_104 = arith.addi %mul3A_102, %add3A_103 : i32
      %mul3A_105 = arith.constant 16 : i32
      %mul3A_106 = arith.muli %add3A_104, %mul3A_105 : i32
      %swap3A_107 = arith.index_cast %mul3A_106 : i32 to index
      %swap3A_108 = tpu.vector_load %arg9[%swap3A_107] {strides = array<i32>} : memref<16768xf32, #tpu.memory_space<vmem>>, vector<16xf32>,
      tpu.vector_store %arg9[%swap3A_107], %broadcast_in_dim3A_6 {strides = array<i32>} : memref<16768xf32, #tpu.memory_space<vmem>>, vector<16xf32>,
      %mul3A_109 = arith.constant 8 : i32
      %mul3A_110 = arith.muli %scan3A_76, %mul3A_109 : i32
      %add3A_111 = arith.constant 2 : i32
      %add3A_112 = arith.addi %mul3A_110, %add3A_111 : i32
      %mul3A_113 = arith.constant 16 : i32
      %mul3A_114 = arith.muli %add3A_112, %mul3A_113 : i32
      %swap3A_115 = arith.index_cast %mul3A_114 : i32 to index
      %swap3A_116 = tpu.vector_load %arg8[%swap3A_115] {strides = array<i32>} : memref<16768xf32, #tpu.memory_space<vmem>>, vector<16xf32>,
      tpu.vector_store %arg8[%swap3A_115], %broadcast_in_dim3A_6 {strides = array<i32>} : memref<16768xf32, #tpu.memory_space<vmem>>, vector<16xf32>,
      %mul3A_117 = arith.constant 8 : i32
      %mul3A_118 = arith.muli %scan3A_76, %mul3A_117 : i32
      %add3A_119 = arith.constant 2 : i32
      %add3A_120 = arith.addi %mul3A_118, %add3A_119 : i32
      %mul3A_121 = arith.constant 16 : i32
      %mul3A_122 = arith.muli %add3A_120, %mul3A_121 : i32
      %swap3A_123 = arith.index_cast %mul3A_122 : i32 to index
      %swap3A_124 = tpu.vector_load %arg9[%swap3A_123] {strides = array<i32>} : memref<16768xf32, #tpu.memory_space<vmem>>, vector<16xf32>,
      tpu.vector_store %arg9[%swap3A_123], %broadcast_in_dim3A_6 {strides = array<i32>} : memref<16768xf32, #tpu.memory_space<vmem>>, vector<16xf32>,
      %mul3A_125 = arith.constant 8 : i32
      %mul3A_126 = arith.muli %scan3A_76, %mul3A_125 : i32
      %add3A_127 = arith.constant 3 : i32
      %add3A_128 = arith.addi %mul3A_126, %add3A_127 : i32
      %mul3A_129 = arith.constant 16 : i32
      %mul3A_130 = arith.muli %add3A_128, %mul3A_129 : i32
      %swap3A_131 = arith.index_cast %mul3A_130 : i32 to index
      %swap3A_132 = tpu.vector_load %arg8[%swap3A_131] {strides = array<i32>} : memref<16768xf32, #tpu.memory_space<vmem>>, vector<16xf32>,
      tpu.vector_store %arg8[%swap3A_131], %broadcast_in_dim3A_6 {strides = array<i32>} : memref<16768xf32, #tpu.memory_space<vmem>>, vector<16xf32>,
      %mul3A_133 = arith.constant 8 : i32
      %mul3A_134 = arith.muli %scan3A_76, %mul3A_133 : i32
      %add3A_135 = arith.constant 3 : i32
      %add3A_136 = arith.addi %mul3A_134, %add3A_135 : i32
      %mul3A_137 = arith.constant 16 : i32
      %mul3A_138 = arith.muli %add3A_136, %mul3A_137 : i32
      %swap3A_139 = arith.index_cast %mul3A_138 : i32 to index
      %swap3A_140 = tpu.vector_load %arg9[%swap3A_139] {strides = array<i32>} : memref<16768xf32, #tpu.memory_space<vmem>>, vector<16xf32>,
      tpu.vector_store %arg9[%swap3A_139], %broadcast_in_dim3A_6 {strides = array<i32>} : memref<16768xf32, #tpu.memory_space<vmem>>, vector<16xf32>,
      %mul3A_141 = arith.constant 8 : i32
      %mul3A_142 = arith.muli %scan3A_76, %mul3A_141 : i32
      %add3A_143 = arith.constant 4 : i32
      %add3A_144 = arith.addi %mul3A_142, %add3A_143 : i32
      %mul3A_145 = arith.constant 16 : i32
      %mul3A_146 = arith.muli %add3A_144, %mul3A_145 : i32
      %swap3A_147 = arith.index_cast %mul3A_146 : i32 to index
      %swap3A_148 = tpu.vector_load %arg8[%swap3A_147] {strides = array<i32>} : memref<16768xf32, #tpu.memory_space<vmem>>, vector<16xf32>,
      tpu.vector_store %arg8[%swap3A_147], %broadcast_in_dim3A_6 {strides = array<i32>} : memref<16768xf32, #tpu.memory_space<vmem>>, vector<16xf32>,
      %mul3A_149 = arith.constant 8 : i32
      %mul3A_150 = arith.muli %scan3A_76, %mul3A_149 : i32
      %add3A_151 = arith.constant 4 : i32
      %add3A_152 = arith.addi %mul3A_150, %add3A_151 : i32
      %mul3A_153 = arith.constant 16 : i32
      %mul3A_154 = arith.muli %add3A_152, %mul3A_153 : i32
      %swap3A_155 = arith.index_cast %mul3A_154 : i32 to index
      %swap3A_156 = tpu.vector_load %arg9[%swap3A_155] {strides = array<i32>} : memref<16768xf32, #tpu.memory_space<vmem>>, vector<16xf32>,
      tpu.vector_store %arg9[%swap3A_155], %broadcast_in_dim3A_6 {strides = array<i32>} : memref<16768xf32, #tpu.memory_space<vmem>>, vector<16xf32>,
      %mul3A_157 = arith.constant 8 : i32
      %mul3A_158 = arith.muli %scan3A_76, %mul3A_157 : i32
      %add3A_159 = arith.constant 5 : i32
      %add3A_160 = arith.addi %mul3A_158, %add3A_159 : i32
      %mul3A_161 = arith.constant 16 : i32
      %mul3A_162 = arith.muli %add3A_160, %mul3A_161 : i32
      %swap3A_163 = arith.index_cast %mul3A_162 : i32 to index
      %swap3A_164 = tpu.vector_load %arg8[%swap3A_163] {strides = array<i32>} : memref<16768xf32, #tpu.memory_space<vmem>>, vector<16xf32>,
      tpu.vector_store %arg8[%swap3A_163], %broadcast_in_dim3A_6 {strides = array<i32>} : memref<16768xf32, #tpu.memory_space<vmem>>, vector<16xf32>,
      %mul3A_165 = arith.constant 8 : i32
      %mul3A_166 = arith.muli %scan3A_76, %mul3A_165 : i32
      %add3A_167 = arith.constant 5 : i32
      %add3A_168 = arith.addi %mul3A_166, %add3A_167 : i32
      %mul3A_169 = arith.constant 16 : i32
      %mul3A_170 = arith.muli %add3A_168, %mul3A_169 : i32
      %swap3A_171 = arith.index_cast %mul3A_170 : i32 to index
      %swap3A_172 = tpu.vector_load %arg9[%swap3A_171] {strides = array<i32>} : memref<16768xf32, #tpu.memory_space<vmem>>, vector<16xf32>,
      tpu.vector_store %arg9[%swap3A_171], %broadcast_in_dim3A_6 {strides = array<i32>} : memref<16768xf32, #tpu.memory_space<vmem>>, vector<16xf32>,
      %mul3A_173 = arith.constant 8 : i32
      %mul3A_174 = arith.muli %scan3A_76, %mul3A_173 : i32
      %add3A_175 = arith.constant 6 : i32
      %add3A_176 = arith.addi %mul3A_174, %add3A_175 : i32
      %mul3A_177 = arith.constant 16 : i32
      %mul3A_178 = arith.muli %add3A_176, %mul3A_177 : i32
      %swap3A_179 = arith.index_cast %mul3A_178 : i32 to index
      %swap3A_180 = tpu.vector_load %arg8[%swap3A_179] {strides = array<i32>} : memref<16768xf32, #tpu.memory_space<vmem>>, vector<16xf32>,
      tpu.vector_store %arg8[%swap3A_179], %broadcast_in_dim3A_6 {strides = array<i32>} : memref<16768xf32, #tpu.memory_space<vmem>>, vector<16xf32>,
      %mul3A_181 = arith.constant 8 : i32
      %mul3A_182 = arith.muli %scan3A_76, %mul3A_181 : i32
      %add3A_183 = arith.constant 6 : i32
      %add3A_184 = arith.addi %mul3A_182, %add3A_183 : i32
      %mul3A_185 = arith.constant 16 : i32
      %mul3A_186 = arith.muli %add3A_184, %mul3A_185 : i32
      %swap3A_187 = arith.index_cast %mul3A_186 : i32 to index
      %swap3A_188 = tpu.vector_load %arg9[%swap3A_187] {strides = array<i32>} : memref<16768xf32, #tpu.memory_space<vmem>>, vector<16xf32>,
      tpu.vector_store %arg9[%swap3A_187], %broadcast_in_dim3A_6 {strides = array<i32>} : memref<16768xf32, #tpu.memory_space<vmem>>, vector<16xf32>,
      %mul3A_189 = arith.constant 8 : i32
      %mul3A_190 = arith.muli %scan3A_76, %mul3A_189 : i32
      %add3A_191 = arith.constant 7 : i32
      %add3A_192 = arith.addi %mul3A_190, %add3A_191 : i32
      %mul3A_193 = arith.constant 16 : i32
      %mul3A_194 = arith.muli %add3A_192, %mul3A_193 : i32
      %swap3A_195 = arith.index_cast %mul3A_194 : i32 to index
      %swap3A_196 = tpu.vector_load %arg8[%swap3A_195] {strides = array<i32>} : memref<16768xf32, #tpu.memory_space<vmem>>, vector<16xf32>,
      tpu.vector_store %arg8[%swap3A_195], %broadcast_in_dim3A_6 {strides = array<i32>} : memref<16768xf32, #tpu.memory_space<vmem>>, vector<16xf32>,
      %mul3A_197 = arith.constant 8 : i32
      %mul3A_198 = arith.muli %scan3A_76, %mul3A_197 : i32
      %add3A_199 = arith.constant 7 : i32
      %add3A_200 = arith.addi %mul3A_198, %add3A_199 : i32
      %mul3A_201 = arith.constant 16 : i32
      %mul3A_202 = arith.muli %add3A_200, %mul3A_201 : i32
      %swap3A_203 = arith.index_cast %mul3A_202 : i32 to index
      %swap3A_204 = tpu.vector_load %arg9[%swap3A_203] {strides = array<i32>} : memref<16768xf32, #tpu.memory_space<vmem>>, vector<16xf32>,
      tpu.vector_store %arg9[%swap3A_203], %broadcast_in_dim3A_6 {strides = array<i32>} : memref<16768xf32, #tpu.memory_space<vmem>>, vector<16xf32>,
      %scan3A_205 = arith.constant 0 : i32
      scf.yield %scan3A_205 : i32
    }
    %scan3A_12 = arith.constant 131 : i32
    %mul3A_13 = arith.constant 390 : i32
    %mul3A_14 = arith.muli %add3A, %mul3A_13 : i32
    %min3A = arith.constant 20 : i32
    %min3A_15 = arith.minsi %add3A, %min3A : i32
    %add3A_16 = arith.addi %mul3A_14, %min3A_15 : i32
    %lt3A = arith.constant 20 : i32
    %lt3A_17 = arith.cmpi slt, %add3A, %lt3A : i32
    %convert_element_type3A = arith.extui %lt3A_17 : i1 to i32
    %add3A_18 = arith.constant 390 : i32
    %add3A_19 = arith.addi %add3A_18, %convert_element_type3A : i32
    %mul3A_20 = arith.constant 128 : i32
    %mul3A_21 = arith.muli %add3A_16, %mul3A_20 : i32
    %sub3A = arith.constant 384 : i32
    %sub3A_22 = arith.subi %add3A_19, %sub3A : i32
    %dma_start3A = tpu.memref_slice %arg2[%mul3A_21] : memref<1600000xi32, #tpu.memory_space<hbm>> -> memref<16384xi32, #tpu.memory_space<hbm>>
    %dma_start3A_23 = tpu.memref_slice %arg2[%mul3A_21] : memref<1600000xi32, #tpu.memory_space<hbm>> -> memref<16384xi32, #tpu.memory_space<hbm>>
    tpu.enqueue_dma source(%dma_start3A_23 : memref<16384xi32, #tpu.memory_space<hbm>>) target(%arg5 : memref<16384xi32, #tpu.memory_space<vmem>>) target_semaphore(%arg12 : memref<!tpu.dma_semaphore, #tpu.memory_space<semaphore_mem>>)
    %add3A_24 = arith.constant 16384 : i32
    %add3A_25 = arith.addi %mul3A_21, %add3A_24 : i32
    %dma_start3A_26 = tpu.memref_slice %arg2[%add3A_25] : memref<1600000xi32, #tpu.memory_space<hbm>> -> memref<16384xi32, #tpu.memory_space<hbm>>
    %dma_start3A_27 = tpu.memref_slice %arg2[%add3A_25] : memref<1600000xi32, #tpu.memory_space<hbm>> -> memref<16384xi32, #tpu.memory_space<hbm>>
    tpu.enqueue_dma source(%dma_start3A_27 : memref<16384xi32, #tpu.memory_space<hbm>>) target(%arg6 : memref<16384xi32, #tpu.memory_space<vmem>>) target_semaphore(%arg13 : memref<!tpu.dma_semaphore, #tpu.memory_space<semaphore_mem>>)
    %dma_wait3A = tpu.memref_slice %arg2[%mul3A_21] : memref<1600000xi32, #tpu.memory_space<hbm>> -> memref<16384xi32, #tpu.memory_space<hbm>>
    %dma_wait3A_28 = tpu.memref_slice %arg2[%mul3A_21] : memref<1600000xi32, #tpu.memory_space<hbm>> -> memref<16384xi32, #tpu.memory_space<hbm>>
    tpu.wait_dma2 semaphore(%arg12 : memref<!tpu.dma_semaphore, #tpu.memory_space<semaphore_mem>>) src(%dma_wait3A_28 : memref<16384xi32, #tpu.memory_space<hbm>>) dst(%arg5 : memref<16384xi32, #tpu.memory_space<vmem>>)
    %scan3A_29 = arith.constant 0 : i32
    %scan3A_30 = arith.constant 0 : i32
    %scan3A_31 = arith.constant 128 : i32
    %scan3A_32 = arith.addi %scan3A_30, %scan3A_31 : i32
    %scan3A_33 = arith.constant 1 : i32
    %scan3A_34 = scf.for %scan3A_76 = %scan3A_30 to %scan3A_32 step %scan3A_33 iter_args(%scan3A_77 = %scan3A_29) -> (i32)  : i32 {
      %mul3A_78 = arith.constant 8 : i32
      %mul3A_79 = arith.muli %scan3A_76, %mul3A_78 : i32
      %add3A_80 = arith.constant 0 : i32
      %add3A_81 = arith.addi %mul3A_79, %add3A_80 : i32
      %mul3A_82 = arith.constant 16 : i32
      %mul3A_83 = arith.muli %add3A_81, %mul3A_82 : i32
      %get3A = arith.index_cast %mul3A_83 : i32 to index
      %get3A_84 = tpu.vector_load %arg5[%get3A] {strides = array<i32>} : memref<16384xi32, #tpu.memory_space<vmem>>, vector<16xi32>,
      %shift_right_logical3A = arith.constant 16 : i32
      %shift_right_logical3A_85 = vector.broadcast %shift_right_logical3A : i32 to vector<16xi32>
      %shift_right_logical3A_86 = arith.shrui %get3A_84, %shift_right_logical3A_85 : vector<16xi32>
      %shift_left3A = arith.constant 16 : i32
      %shift_left3A_87 = vector.broadcast %shift_left3A : i32 to vector<16xi32>
      %shift_left3A_88 = arith.shli %get3A_84, %shift_left3A_87 : vector<16xi32>
      %bitcast3A = vector.bitcast %shift_left3A_88 : vector<16xi32> to vector<16xf32>
      %ne3A = arith.constant 0.000000e+00 : f32
      %ne3A_89 = vector.broadcast %ne3A : f32 to vector<16xf32>
      %ne3A_90 = arith.cmpf one, %bitcast3A, %ne3A_89 : vector<16xf32>
      %select_n3A = arith.select %ne3A_90, %broadcast_in_dim3A_4, %broadcast_in_dim3A_6 : vector<16xi1>, vector<16xf32>
      %add3A_91 = arith.addi %shift_right_logical3A_86, %mul3A_3 : vector<16xi32>
      tpu.vector_store_idx %arg8[%add3A_91], %bitcast3A {add = true} : memref<16768xf32, #tpu.memory_space<vmem>>[vector<16xi32>], vector<16xf32>,
      tpu.vector_store_idx %arg9[%add3A_91], %select_n3A {add = true} : memref<16768xf32, #tpu.memory_space<vmem>>[vector<16xi32>], vector<16xf32>,
      %mul3A_92 = arith.constant 8 : i32
      %mul3A_93 = arith.muli %scan3A_76, %mul3A_92 : i32
      %add3A_94 = arith.constant 1 : i32
      %add3A_95 = arith.addi %mul3A_93, %add3A_94 : i32
      %mul3A_96 = arith.constant 16 : i32
      %mul3A_97 = arith.muli %add3A_95, %mul3A_96 : i32
      %get3A_98 = arith.index_cast %mul3A_97 : i32 to index
      %get3A_99 = tpu.vector_load %arg5[%get3A_98] {strides = array<i32>} : memref<16384xi32, #tpu.memory_space<vmem>>, vector<16xi32>,
      %shift_right_logical3A_100 = arith.constant 16 : i32
      %shift_right_logical3A_101 = vector.broadcast %shift_right_logical3A_100 : i32 to vector<16xi32>
      %shift_right_logical3A_102 = arith.shrui %get3A_99, %shift_right_logical3A_101 : vector<16xi32>
      %shift_left3A_103 = arith.constant 16 : i32
      %shift_left3A_104 = vector.broadcast %shift_left3A_103 : i32 to vector<16xi32>
      %shift_left3A_105 = arith.shli %get3A_99, %shift_left3A_104 : vector<16xi32>
      %bitcast3A_106 = vector.bitcast %shift_left3A_105 : vector<16xi32> to vector<16xf32>
      %ne3A_107 = arith.constant 0.000000e+00 : f32
      %ne3A_108 = vector.broadcast %ne3A_107 : f32 to vector<16xf32>
      %ne3A_109 = arith.cmpf one, %bitcast3A_106, %ne3A_108 : vector<16xf32>
      %select_n3A_110 = arith.select %ne3A_109, %broadcast_in_dim3A_4, %broadcast_in_dim3A_6 : vector<16xi1>, vector<16xf32>
      %add3A_111 = arith.addi %shift_right_logical3A_102, %mul3A_3 : vector<16xi32>
      tpu.vector_store_idx %arg8[%add3A_111], %bitcast3A_106 {add = true} : memref<16768xf32, #tpu.memory_space<vmem>>[vector<16xi32>], vector<16xf32>,
      tpu.vector_store_idx %arg9[%add3A_111], %select_n3A_110 {add = true} : memref<16768xf32, #tpu.memory_space<vmem>>[vector<16xi32>], vector<16xf32>,
      %mul3A_112 = arith.constant 8 : i32
      %mul3A_113 = arith.muli %scan3A_76, %mul3A_112 : i32
      %add3A_114 = arith.constant 2 : i32
      %add3A_115 = arith.addi %mul3A_113, %add3A_114 : i32
      %mul3A_116 = arith.constant 16 : i32
      %mul3A_117 = arith.muli %add3A_115, %mul3A_116 : i32
      %get3A_118 = arith.index_cast %mul3A_117 : i32 to index
      %get3A_119 = tpu.vector_load %arg5[%get3A_118] {strides = array<i32>} : memref<16384xi32, #tpu.memory_space<vmem>>, vector<16xi32>,
      %shift_right_logical3A_120 = arith.constant 16 : i32
      %shift_right_logical3A_121 = vector.broadcast %shift_right_logical3A_120 : i32 to vector<16xi32>
      %shift_right_logical3A_122 = arith.shrui %get3A_119, %shift_right_logical3A_121 : vector<16xi32>
      %shift_left3A_123 = arith.constant 16 : i32
      %shift_left3A_124 = vector.broadcast %shift_left3A_123 : i32 to vector<16xi32>
      %shift_left3A_125 = arith.shli %get3A_119, %shift_left3A_124 : vector<16xi32>
      %bitcast3A_126 = vector.bitcast %shift_left3A_125 : vector<16xi32> to vector<16xf32>
      %ne3A_127 = arith.constant 0.000000e+00 : f32
      %ne3A_128 = vector.broadcast %ne3A_127 : f32 to vector<16xf32>
      %ne3A_129 = arith.cmpf one, %bitcast3A_126, %ne3A_128 : vector<16xf32>
      %select_n3A_130 = arith.select %ne3A_129, %broadcast_in_dim3A_4, %broadcast_in_dim3A_6 : vector<16xi1>, vector<16xf32>
      %add3A_131 = arith.addi %shift_right_logical3A_122, %mul3A_3 : vector<16xi32>
      tpu.vector_store_idx %arg8[%add3A_131], %bitcast3A_126 {add = true} : memref<16768xf32, #tpu.memory_space<vmem>>[vector<16xi32>], vector<16xf32>,
      tpu.vector_store_idx %arg9[%add3A_131], %select_n3A_130 {add = true} : memref<16768xf32, #tpu.memory_space<vmem>>[vector<16xi32>], vector<16xf32>,
      %mul3A_132 = arith.constant 8 : i32
      %mul3A_133 = arith.muli %scan3A_76, %mul3A_132 : i32
      %add3A_134 = arith.constant 3 : i32
      %add3A_135 = arith.addi %mul3A_133, %add3A_134 : i32
      %mul3A_136 = arith.constant 16 : i32
      %mul3A_137 = arith.muli %add3A_135, %mul3A_136 : i32
      %get3A_138 = arith.index_cast %mul3A_137 : i32 to index
      %get3A_139 = tpu.vector_load %arg5[%get3A_138] {strides = array<i32>} : memref<16384xi32, #tpu.memory_space<vmem>>, vector<16xi32>,
      %shift_right_logical3A_140 = arith.constant 16 : i32
      %shift_right_logical3A_141 = vector.broadcast %shift_right_logical3A_140 : i32 to vector<16xi32>
      %shift_right_logical3A_142 = arith.shrui %get3A_139, %shift_right_logical3A_141 : vector<16xi32>
      %shift_left3A_143 = arith.constant 16 : i32
      %shift_left3A_144 = vector.broadcast %shift_left3A_143 : i32 to vector<16xi32>
      %shift_left3A_145 = arith.shli %get3A_139, %shift_left3A_144 : vector<16xi32>
      %bitcast3A_146 = vector.bitcast %shift_left3A_145 : vector<16xi32> to vector<16xf32>
      %ne3A_147 = arith.constant 0.000000e+00 : f32
      %ne3A_148 = vector.broadcast %ne3A_147 : f32 to vector<16xf32>
      %ne3A_149 = arith.cmpf one, %bitcast3A_146, %ne3A_148 : vector<16xf32>
      %select_n3A_150 = arith.select %ne3A_149, %broadcast_in_dim3A_4, %broadcast_in_dim3A_6 : vector<16xi1>, vector<16xf32>
      %add3A_151 = arith.addi %shift_right_logical3A_142, %mul3A_3 : vector<16xi32>
      tpu.vector_store_idx %arg8[%add3A_151], %bitcast3A_146 {add = true} : memref<16768xf32, #tpu.memory_space<vmem>>[vector<16xi32>], vector<16xf32>,
      tpu.vector_store_idx %arg9[%add3A_151], %select_n3A_150 {add = true} : memref<16768xf32, #tpu.memory_space<vmem>>[vector<16xi32>], vector<16xf32>,
      %mul3A_152 = arith.constant 8 : i32
      %mul3A_153 = arith.muli %scan3A_76, %mul3A_152 : i32
      %add3A_154 = arith.constant 4 : i32
      %add3A_155 = arith.addi %mul3A_153, %add3A_154 : i32
      %mul3A_156 = arith.constant 16 : i32
      %mul3A_157 = arith.muli %add3A_155, %mul3A_156 : i32
      %get3A_158 = arith.index_cast %mul3A_157 : i32 to index
      %get3A_159 = tpu.vector_load %arg5[%get3A_158] {strides = array<i32>} : memref<16384xi32, #tpu.memory_space<vmem>>, vector<16xi32>,
      %shift_right_logical3A_160 = arith.constant 16 : i32
      %shift_right_logical3A_161 = vector.broadcast %shift_right_logical3A_160 : i32 to vector<16xi32>
      %shift_right_logical3A_162 = arith.shrui %get3A_159, %shift_right_logical3A_161 : vector<16xi32>
      %shift_left3A_163 = arith.constant 16 : i32
      %shift_left3A_164 = vector.broadcast %shift_left3A_163 : i32 to vector<16xi32>
      %shift_left3A_165 = arith.shli %get3A_159, %shift_left3A_164 : vector<16xi32>
      %bitcast3A_166 = vector.bitcast %shift_left3A_165 : vector<16xi32> to vector<16xf32>
      %ne3A_167 = arith.constant 0.000000e+00 : f32
      %ne3A_168 = vector.broadcast %ne3A_167 : f32 to vector<16xf32>
      %ne3A_169 = arith.cmpf one, %bitcast3A_166, %ne3A_168 : vector<16xf32>
      %select_n3A_170 = arith.select %ne3A_169, %broadcast_in_dim3A_4, %broadcast_in_dim3A_6 : vector<16xi1>, vector<16xf32>
      %add3A_171 = arith.addi %shift_right_logical3A_162, %mul3A_3 : vector<16xi32>
      tpu.vector_store_idx %arg8[%add3A_171], %bitcast3A_166 {add = true} : memref<16768xf32, #tpu.memory_space<vmem>>[vector<16xi32>], vector<16xf32>,
      tpu.vector_store_idx %arg9[%add3A_171], %select_n3A_170 {add = true} : memref<16768xf32, #tpu.memory_space<vmem>>[vector<16xi32>], vector<16xf32>,
      %mul3A_172 = arith.constant 8 : i32
      %mul3A_173 = arith.muli %scan3A_76, %mul3A_172 : i32
      %add3A_174 = arith.constant 5 : i32
      %add3A_175 = arith.addi %mul3A_173, %add3A_174 : i32
      %mul3A_176 = arith.constant 16 : i32
      %mul3A_177 = arith.muli %add3A_175, %mul3A_176 : i32
      %get3A_178 = arith.index_cast %mul3A_177 : i32 to index
      %get3A_179 = tpu.vector_load %arg5[%get3A_178] {strides = array<i32>} : memref<16384xi32, #tpu.memory_space<vmem>>, vector<16xi32>,
      %shift_right_logical3A_180 = arith.constant 16 : i32
      %shift_right_logical3A_181 = vector.broadcast %shift_right_logical3A_180 : i32 to vector<16xi32>
      %shift_right_logical3A_182 = arith.shrui %get3A_179, %shift_right_logical3A_181 : vector<16xi32>
      %shift_left3A_183 = arith.constant 16 : i32
      %shift_left3A_184 = vector.broadcast %shift_left3A_183 : i32 to vector<16xi32>
      %shift_left3A_185 = arith.shli %get3A_179, %shift_left3A_184 : vector<16xi32>
      %bitcast3A_186 = vector.bitcast %shift_left3A_185 : vector<16xi32> to vector<16xf32>
      %ne3A_187 = arith.constant 0.000000e+00 : f32
      %ne3A_188 = vector.broadcast %ne3A_187 : f32 to vector<16xf32>
      %ne3A_189 = arith.cmpf one, %bitcast3A_186, %ne3A_188 : vector<16xf32>
      %select_n3A_190 = arith.select %ne3A_189, %broadcast_in_dim3A_4, %broadcast_in_dim3A_6 : vector<16xi1>, vector<16xf32>
      %add3A_191 = arith.addi %shift_right_logical3A_182, %mul3A_3 : vector<16xi32>
      tpu.vector_store_idx %arg8[%add3A_191], %bitcast3A_186 {add = true} : memref<16768xf32, #tpu.memory_space<vmem>>[vector<16xi32>], vector<16xf32>,
      tpu.vector_store_idx %arg9[%add3A_191], %select_n3A_190 {add = true} : memref<16768xf32, #tpu.memory_space<vmem>>[vector<16xi32>], vector<16xf32>,
      %mul3A_192 = arith.constant 8 : i32
      %mul3A_193 = arith.muli %scan3A_76, %mul3A_192 : i32
      %add3A_194 = arith.constant 6 : i32
      %add3A_195 = arith.addi %mul3A_193, %add3A_194 : i32
      %mul3A_196 = arith.constant 16 : i32
      %mul3A_197 = arith.muli %add3A_195, %mul3A_196 : i32
      %get3A_198 = arith.index_cast %mul3A_197 : i32 to index
      %get3A_199 = tpu.vector_load %arg5[%get3A_198] {strides = array<i32>} : memref<16384xi32, #tpu.memory_space<vmem>>, vector<16xi32>,
      %shift_right_logical3A_200 = arith.constant 16 : i32
      %shift_right_logical3A_201 = vector.broadcast %shift_right_logical3A_200 : i32 to vector<16xi32>
      %shift_right_logical3A_202 = arith.shrui %get3A_199, %shift_right_logical3A_201 : vector<16xi32>
      %shift_left3A_203 = arith.constant 16 : i32
      %shift_left3A_204 = vector.broadcast %shift_left3A_203 : i32 to vector<16xi32>
      %shift_left3A_205 = arith.shli %get3A_199, %shift_left3A_204 : vector<16xi32>
      %bitcast3A_206 = vector.bitcast %shift_left3A_205 : vector<16xi32> to vector<16xf32>
      %ne3A_207 = arith.constant 0.000000e+00 : f32
      %ne3A_208 = vector.broadcast %ne3A_207 : f32 to vector<16xf32>
      %ne3A_209 = arith.cmpf one, %bitcast3A_206, %ne3A_208 : vector<16xf32>
      %select_n3A_210 = arith.select %ne3A_209, %broadcast_in_dim3A_4, %broadcast_in_dim3A_6 : vector<16xi1>, vector<16xf32>
      %add3A_211 = arith.addi %shift_right_logical3A_202, %mul3A_3 : vector<16xi32>
      tpu.vector_store_idx %arg8[%add3A_211], %bitcast3A_206 {add = true} : memref<16768xf32, #tpu.memory_space<vmem>>[vector<16xi32>], vector<16xf32>,
      tpu.vector_store_idx %arg9[%add3A_211], %select_n3A_210 {add = true} : memref<16768xf32, #tpu.memory_space<vmem>>[vector<16xi32>], vector<16xf32>,
      %mul3A_212 = arith.constant 8 : i32
      %mul3A_213 = arith.muli %scan3A_76, %mul3A_212 : i32
      %add3A_214 = arith.constant 7 : i32
      %add3A_215 = arith.addi %mul3A_213, %add3A_214 : i32
      %mul3A_216 = arith.constant 16 : i32
      %mul3A_217 = arith.muli %add3A_215, %mul3A_216 : i32
      %get3A_218 = arith.index_cast %mul3A_217 : i32 to index
      %get3A_219 = tpu.vector_load %arg5[%get3A_218] {strides = array<i32>} : memref<16384xi32, #tpu.memory_space<vmem>>, vector<16xi32>,
      %shift_right_logical3A_220 = arith.constant 16 : i32
      %shift_right_logical3A_221 = vector.broadcast %shift_right_logical3A_220 : i32 to vector<16xi32>
      %shift_right_logical3A_222 = arith.shrui %get3A_219, %shift_right_logical3A_221 : vector<16xi32>
      %shift_left3A_223 = arith.constant 16 : i32
      %shift_left3A_224 = vector.broadcast %shift_left3A_223 : i32 to vector<16xi32>
      %shift_left3A_225 = arith.shli %get3A_219, %shift_left3A_224 : vector<16xi32>
      %bitcast3A_226 = vector.bitcast %shift_left3A_225 : vector<16xi32> to vector<16xf32>
      %ne3A_227 = arith.constant 0.000000e+00 : f32
      %ne3A_228 = vector.broadcast %ne3A_227 : f32 to vector<16xf32>
      %ne3A_229 = arith.cmpf one, %bitcast3A_226, %ne3A_228 : vector<16xf32>
      %select_n3A_230 = arith.select %ne3A_229, %broadcast_in_dim3A_4, %broadcast_in_dim3A_6 : vector<16xi1>, vector<16xf32>
      %add3A_231 = arith.addi %shift_right_logical3A_222, %mul3A_3 : vector<16xi32>
      tpu.vector_store_idx %arg8[%add3A_231], %bitcast3A_226 {add = true} : memref<16768xf32, #tpu.memory_space<vmem>>[vector<16xi32>], vector<16xf32>,
      tpu.vector_store_idx %arg9[%add3A_231], %select_n3A_230 {add = true} : memref<16768xf32, #tpu.memory_space<vmem>>[vector<16xi32>], vector<16xf32>,
      %scan3A_232 = arith.constant 0 : i32
      scf.yield %scan3A_232 : i32
    }
    %scan3A_35 = arith.constant 128 : i32
    %add3A_36 = arith.constant 32768 : i32
    %add3A_37 = arith.addi %mul3A_21, %add3A_36 : i32
    %dma_start3A_38 = tpu.memref_slice %arg2[%add3A_37] : memref<1600000xi32, #tpu.memory_space<hbm>> -> memref<16384xi32, #tpu.memory_space<hbm>>
    %dma_start3A_39 = tpu.memref_slice %arg2[%add3A_37] : memref<1600000xi32, #tpu.memory_space<hbm>> -> memref<16384xi32, #tpu.memory_space<hbm>>
    tpu.enqueue_dma source(%dma_start3A_39 : memref<16384xi32, #tpu.memory_space<hbm>>) target(%arg5 : memref<16384xi32, #tpu.memory_space<vmem>>) target_semaphore(%arg12 : memref<!tpu.dma_semaphore, #tpu.memory_space<semaphore_mem>>)
    %dma_wait3A_40 = tpu.memref_slice %arg2[%add3A_25] : memref<1600000xi32, #tpu.memory_space<hbm>> -> memref<16384xi32, #tpu.memory_space<hbm>>
    %dma_wait3A_41 = tpu.memref_slice %arg2[%add3A_25] : memref<1600000xi32, #tpu.memory_space<hbm>> -> memref<16384xi32, #tpu.memory_space<hbm>>
    tpu.wait_dma2 semaphore(%arg13 : memref<!tpu.dma_semaphore, #tpu.memory_space<semaphore_mem>>) src(%dma_wait3A_41 : memref<16384xi32, #tpu.memory_space<hbm>>) dst(%arg6 : memref<16384xi32, #tpu.memory_space<vmem>>)
    %scan3A_42 = arith.constant 0 : i32
    %scan3A_43 = arith.constant 0 : i32
    %scan3A_44 = arith.constant 128 : i32
    %scan3A_45 = arith.addi %scan3A_43, %scan3A_44 : i32
    %scan3A_46 = arith.constant 1 : i32
    %scan3A_47 = scf.for %scan3A_76 = %scan3A_43 to %scan3A_45 step %scan3A_46 iter_args(%scan3A_77 = %scan3A_42) -> (i32)  : i32 {
      %mul3A_78 = arith.constant 8 : i32
      %mul3A_79 = arith.muli %scan3A_76, %mul3A_78 : i32
      %add3A_80 = arith.constant 0 : i32
      %add3A_81 = arith.addi %mul3A_79, %add3A_80 : i32
      %mul3A_82 = arith.constant 16 : i32
      %mul3A_83 = arith.muli %add3A_81, %mul3A_82 : i32
      %get3A = arith.index_cast %mul3A_83 : i32 to index
      %get3A_84 = tpu.vector_load %arg6[%get3A] {strides = array<i32>} : memref<16384xi32, #tpu.memory_space<vmem>>, vector<16xi32>,
      %shift_right_logical3A = arith.constant 16 : i32
      %shift_right_logical3A_85 = vector.broadcast %shift_right_logical3A : i32 to vector<16xi32>
      %shift_right_logical3A_86 = arith.shrui %get3A_84, %shift_right_logical3A_85 : vector<16xi32>
      %shift_left3A = arith.constant 16 : i32
      %shift_left3A_87 = vector.broadcast %shift_left3A : i32 to vector<16xi32>
      %shift_left3A_88 = arith.shli %get3A_84, %shift_left3A_87 : vector<16xi32>
      %bitcast3A = vector.bitcast %shift_left3A_88 : vector<16xi32> to vector<16xf32>
      %ne3A = arith.constant 0.000000e+00 : f32
      %ne3A_89 = vector.broadcast %ne3A : f32 to vector<16xf32>
      %ne3A_90 = arith.cmpf one, %bitcast3A, %ne3A_89 : vector<16xf32>
      %select_n3A = arith.select %ne3A_90, %broadcast_in_dim3A_4, %broadcast_in_dim3A_6 : vector<16xi1>, vector<16xf32>
      %add3A_91 = arith.addi %shift_right_logical3A_86, %mul3A_3 : vector<16xi32>
      tpu.vector_store_idx %arg8[%add3A_91], %bitcast3A {add = true} : memref<16768xf32, #tpu.memory_space<vmem>>[vector<16xi32>], vector<16xf32>,
      tpu.vector_store_idx %arg9[%add3A_91], %select_n3A {add = true} : memref<16768xf32, #tpu.memory_space<vmem>>[vector<16xi32>], vector<16xf32>,
      %mul3A_92 = arith.constant 8 : i32
      %mul3A_93 = arith.muli %scan3A_76, %mul3A_92 : i32
      %add3A_94 = arith.constant 1 : i32
      %add3A_95 = arith.addi %mul3A_93, %add3A_94 : i32
      %mul3A_96 = arith.constant 16 : i32
      %mul3A_97 = arith.muli %add3A_95, %mul3A_96 : i32
      %get3A_98 = arith.index_cast %mul3A_97 : i32 to index
      %get3A_99 = tpu.vector_load %arg6[%get3A_98] {strides = array<i32>} : memref<16384xi32, #tpu.memory_space<vmem>>, vector<16xi32>,
      %shift_right_logical3A_100 = arith.constant 16 : i32
      %shift_right_logical3A_101 = vector.broadcast %shift_right_logical3A_100 : i32 to vector<16xi32>
      %shift_right_logical3A_102 = arith.shrui %get3A_99, %shift_right_logical3A_101 : vector<16xi32>
      %shift_left3A_103 = arith.constant 16 : i32
      %shift_left3A_104 = vector.broadcast %shift_left3A_103 : i32 to vector<16xi32>
      %shift_left3A_105 = arith.shli %get3A_99, %shift_left3A_104 : vector<16xi32>
      %bitcast3A_106 = vector.bitcast %shift_left3A_105 : vector<16xi32> to vector<16xf32>
      %ne3A_107 = arith.constant 0.000000e+00 : f32
      %ne3A_108 = vector.broadcast %ne3A_107 : f32 to vector<16xf32>
      %ne3A_109 = arith.cmpf one, %bitcast3A_106, %ne3A_108 : vector<16xf32>
      %select_n3A_110 = arith.select %ne3A_109, %broadcast_in_dim3A_4, %broadcast_in_dim3A_6 : vector<16xi1>, vector<16xf32>
      %add3A_111 = arith.addi %shift_right_logical3A_102, %mul3A_3 : vector<16xi32>
      tpu.vector_store_idx %arg8[%add3A_111], %bitcast3A_106 {add = true} : memref<16768xf32, #tpu.memory_space<vmem>>[vector<16xi32>], vector<16xf32>,
      tpu.vector_store_idx %arg9[%add3A_111], %select_n3A_110 {add = true} : memref<16768xf32, #tpu.memory_space<vmem>>[vector<16xi32>], vector<16xf32>,
      %mul3A_112 = arith.constant 8 : i32
      %mul3A_113 = arith.muli %scan3A_76, %mul3A_112 : i32
      %add3A_114 = arith.constant 2 : i32
      %add3A_115 = arith.addi %mul3A_113, %add3A_114 : i32
      %mul3A_116 = arith.constant 16 : i32
      %mul3A_117 = arith.muli %add3A_115, %mul3A_116 : i32
      %get3A_118 = arith.index_cast %mul3A_117 : i32 to index
      %get3A_119 = tpu.vector_load %arg6[%get3A_118] {strides = array<i32>} : memref<16384xi32, #tpu.memory_space<vmem>>, vector<16xi32>,
      %shift_right_logical3A_120 = arith.constant 16 : i32
      %shift_right_logical3A_121 = vector.broadcast %shift_right_logical3A_120 : i32 to vector<16xi32>
      %shift_right_logical3A_122 = arith.shrui %get3A_119, %shift_right_logical3A_121 : vector<16xi32>
      %shift_left3A_123 = arith.constant 16 : i32
      %shift_left3A_124 = vector.broadcast %shift_left3A_123 : i32 to vector<16xi32>
      %shift_left3A_125 = arith.shli %get3A_119, %shift_left3A_124 : vector<16xi32>
      %bitcast3A_126 = vector.bitcast %shift_left3A_125 : vector<16xi32> to vector<16xf32>
      %ne3A_127 = arith.constant 0.000000e+00 : f32
      %ne3A_128 = vector.broadcast %ne3A_127 : f32 to vector<16xf32>
      %ne3A_129 = arith.cmpf one, %bitcast3A_126, %ne3A_128 : vector<16xf32>
      %select_n3A_130 = arith.select %ne3A_129, %broadcast_in_dim3A_4, %broadcast_in_dim3A_6 : vector<16xi1>, vector<16xf32>
      %add3A_131 = arith.addi %shift_right_logical3A_122, %mul3A_3 : vector<16xi32>
      tpu.vector_store_idx %arg8[%add3A_131], %bitcast3A_126 {add = true} : memref<16768xf32, #tpu.memory_space<vmem>>[vector<16xi32>], vector<16xf32>,
      tpu.vector_store_idx %arg9[%add3A_131], %select_n3A_130 {add = true} : memref<16768xf32, #tpu.memory_space<vmem>>[vector<16xi32>], vector<16xf32>,
      %mul3A_132 = arith.constant 8 : i32
      %mul3A_133 = arith.muli %scan3A_76, %mul3A_132 : i32
      %add3A_134 = arith.constant 3 : i32
      %add3A_135 = arith.addi %mul3A_133, %add3A_134 : i32
      %mul3A_136 = arith.constant 16 : i32
      %mul3A_137 = arith.muli %add3A_135, %mul3A_136 : i32
      %get3A_138 = arith.index_cast %mul3A_137 : i32 to index
      %get3A_139 = tpu.vector_load %arg6[%get3A_138] {strides = array<i32>} : memref<16384xi32, #tpu.memory_space<vmem>>, vector<16xi32>,
      %shift_right_logical3A_140 = arith.constant 16 : i32
      %shift_right_logical3A_141 = vector.broadcast %shift_right_logical3A_140 : i32 to vector<16xi32>
      %shift_right_logical3A_142 = arith.shrui %get3A_139, %shift_right_logical3A_141 : vector<16xi32>
      %shift_left3A_143 = arith.constant 16 : i32
      %shift_left3A_144 = vector.broadcast %shift_left3A_143 : i32 to vector<16xi32>
      %shift_left3A_145 = arith.shli %get3A_139, %shift_left3A_144 : vector<16xi32>
      %bitcast3A_146 = vector.bitcast %shift_left3A_145 : vector<16xi32> to vector<16xf32>
      %ne3A_147 = arith.constant 0.000000e+00 : f32
      %ne3A_148 = vector.broadcast %ne3A_147 : f32 to vector<16xf32>
      %ne3A_149 = arith.cmpf one, %bitcast3A_146, %ne3A_148 : vector<16xf32>
      %select_n3A_150 = arith.select %ne3A_149, %broadcast_in_dim3A_4, %broadcast_in_dim3A_6 : vector<16xi1>, vector<16xf32>
      %add3A_151 = arith.addi %shift_right_logical3A_142, %mul3A_3 : vector<16xi32>
      tpu.vector_store_idx %arg8[%add3A_151], %bitcast3A_146 {add = true} : memref<16768xf32, #tpu.memory_space<vmem>>[vector<16xi32>], vector<16xf32>,
      tpu.vector_store_idx %arg9[%add3A_151], %select_n3A_150 {add = true} : memref<16768xf32, #tpu.memory_space<vmem>>[vector<16xi32>], vector<16xf32>,
      %mul3A_152 = arith.constant 8 : i32
      %mul3A_153 = arith.muli %scan3A_76, %mul3A_152 : i32
      %add3A_154 = arith.constant 4 : i32
      %add3A_155 = arith.addi %mul3A_153, %add3A_154 : i32
      %mul3A_156 = arith.constant 16 : i32
      %mul3A_157 = arith.muli %add3A_155, %mul3A_156 : i32
      %get3A_158 = arith.index_cast %mul3A_157 : i32 to index
      %get3A_159 = tpu.vector_load %arg6[%get3A_158] {strides = array<i32>} : memref<16384xi32, #tpu.memory_space<vmem>>, vector<16xi32>,
      %shift_right_logical3A_160 = arith.constant 16 : i32
      %shift_right_logical3A_161 = vector.broadcast %shift_right_logical3A_160 : i32 to vector<16xi32>
      %shift_right_logical3A_162 = arith.shrui %get3A_159, %shift_right_logical3A_161 : vector<16xi32>
      %shift_left3A_163 = arith.constant 16 : i32
      %shift_left3A_164 = vector.broadcast %shift_left3A_163 : i32 to vector<16xi32>
      %shift_left3A_165 = arith.shli %get3A_159, %shift_left3A_164 : vector<16xi32>
      %bitcast3A_166 = vector.bitcast %shift_left3A_165 : vector<16xi32> to vector<16xf32>
      %ne3A_167 = arith.constant 0.000000e+00 : f32
      %ne3A_168 = vector.broadcast %ne3A_167 : f32 to vector<16xf32>
      %ne3A_169 = arith.cmpf one, %bitcast3A_166, %ne3A_168 : vector<16xf32>
      %select_n3A_170 = arith.select %ne3A_169, %broadcast_in_dim3A_4, %broadcast_in_dim3A_6 : vector<16xi1>, vector<16xf32>
      %add3A_171 = arith.addi %shift_right_logical3A_162, %mul3A_3 : vector<16xi32>
      tpu.vector_store_idx %arg8[%add3A_171], %bitcast3A_166 {add = true} : memref<16768xf32, #tpu.memory_space<vmem>>[vector<16xi32>], vector<16xf32>,
      tpu.vector_store_idx %arg9[%add3A_171], %select_n3A_170 {add = true} : memref<16768xf32, #tpu.memory_space<vmem>>[vector<16xi32>], vector<16xf32>,
      %mul3A_172 = arith.constant 8 : i32
      %mul3A_173 = arith.muli %scan3A_76, %mul3A_172 : i32
      %add3A_174 = arith.constant 5 : i32
      %add3A_175 = arith.addi %mul3A_173, %add3A_174 : i32
      %mul3A_176 = arith.constant 16 : i32
      %mul3A_177 = arith.muli %add3A_175, %mul3A_176 : i32
      %get3A_178 = arith.index_cast %mul3A_177 : i32 to index
      %get3A_179 = tpu.vector_load %arg6[%get3A_178] {strides = array<i32>} : memref<16384xi32, #tpu.memory_space<vmem>>, vector<16xi32>,
      %shift_right_logical3A_180 = arith.constant 16 : i32
      %shift_right_logical3A_181 = vector.broadcast %shift_right_logical3A_180 : i32 to vector<16xi32>
      %shift_right_logical3A_182 = arith.shrui %get3A_179, %shift_right_logical3A_181 : vector<16xi32>
      %shift_left3A_183 = arith.constant 16 : i32
      %shift_left3A_184 = vector.broadcast %shift_left3A_183 : i32 to vector<16xi32>
      %shift_left3A_185 = arith.shli %get3A_179, %shift_left3A_184 : vector<16xi32>
      %bitcast3A_186 = vector.bitcast %shift_left3A_185 : vector<16xi32> to vector<16xf32>
      %ne3A_187 = arith.constant 0.000000e+00 : f32
      %ne3A_188 = vector.broadcast %ne3A_187 : f32 to vector<16xf32>
      %ne3A_189 = arith.cmpf one, %bitcast3A_186, %ne3A_188 : vector<16xf32>
      %select_n3A_190 = arith.select %ne3A_189, %broadcast_in_dim3A_4, %broadcast_in_dim3A_6 : vector<16xi1>, vector<16xf32>
      %add3A_191 = arith.addi %shift_right_logical3A_182, %mul3A_3 : vector<16xi32>
      tpu.vector_store_idx %arg8[%add3A_191], %bitcast3A_186 {add = true} : memref<16768xf32, #tpu.memory_space<vmem>>[vector<16xi32>], vector<16xf32>,
      tpu.vector_store_idx %arg9[%add3A_191], %select_n3A_190 {add = true} : memref<16768xf32, #tpu.memory_space<vmem>>[vector<16xi32>], vector<16xf32>,
      %mul3A_192 = arith.constant 8 : i32
      %mul3A_193 = arith.muli %scan3A_76, %mul3A_192 : i32
      %add3A_194 = arith.constant 6 : i32
      %add3A_195 = arith.addi %mul3A_193, %add3A_194 : i32
      %mul3A_196 = arith.constant 16 : i32
      %mul3A_197 = arith.muli %add3A_195, %mul3A_196 : i32
      %get3A_198 = arith.index_cast %mul3A_197 : i32 to index
      %get3A_199 = tpu.vector_load %arg6[%get3A_198] {strides = array<i32>} : memref<16384xi32, #tpu.memory_space<vmem>>, vector<16xi32>,
      %shift_right_logical3A_200 = arith.constant 16 : i32
      %shift_right_logical3A_201 = vector.broadcast %shift_right_logical3A_200 : i32 to vector<16xi32>
      %shift_right_logical3A_202 = arith.shrui %get3A_199, %shift_right_logical3A_201 : vector<16xi32>
      %shift_left3A_203 = arith.constant 16 : i32
      %shift_left3A_204 = vector.broadcast %shift_left3A_203 : i32 to vector<16xi32>
      %shift_left3A_205 = arith.shli %get3A_199, %shift_left3A_204 : vector<16xi32>
      %bitcast3A_206 = vector.bitcast %shift_left3A_205 : vector<16xi32> to vector<16xf32>
      %ne3A_207 = arith.constant 0.000000e+00 : f32
      %ne3A_208 = vector.broadcast %ne3A_207 : f32 to vector<16xf32>
      %ne3A_209 = arith.cmpf one, %bitcast3A_206, %ne3A_208 : vector<16xf32>
      %select_n3A_210 = arith.select %ne3A_209, %broadcast_in_dim3A_4, %broadcast_in_dim3A_6 : vector<16xi1>, vector<16xf32>
      %add3A_211 = arith.addi %shift_right_logical3A_202, %mul3A_3 : vector<16xi32>
      tpu.vector_store_idx %arg8[%add3A_211], %bitcast3A_206 {add = true} : memref<16768xf32, #tpu.memory_space<vmem>>[vector<16xi32>], vector<16xf32>,
      tpu.vector_store_idx %arg9[%add3A_211], %select_n3A_210 {add = true} : memref<16768xf32, #tpu.memory_space<vmem>>[vector<16xi32>], vector<16xf32>,
      %mul3A_212 = arith.constant 8 : i32
      %mul3A_213 = arith.muli %scan3A_76, %mul3A_212 : i32
      %add3A_214 = arith.constant 7 : i32
      %add3A_215 = arith.addi %mul3A_213, %add3A_214 : i32
      %mul3A_216 = arith.constant 16 : i32
      %mul3A_217 = arith.muli %add3A_215, %mul3A_216 : i32
      %get3A_218 = arith.index_cast %mul3A_217 : i32 to index
      %get3A_219 = tpu.vector_load %arg6[%get3A_218] {strides = array<i32>} : memref<16384xi32, #tpu.memory_space<vmem>>, vector<16xi32>,
      %shift_right_logical3A_220 = arith.constant 16 : i32
      %shift_right_logical3A_221 = vector.broadcast %shift_right_logical3A_220 : i32 to vector<16xi32>
      %shift_right_logical3A_222 = arith.shrui %get3A_219, %shift_right_logical3A_221 : vector<16xi32>
      %shift_left3A_223 = arith.constant 16 : i32
      %shift_left3A_224 = vector.broadcast %shift_left3A_223 : i32 to vector<16xi32>
      %shift_left3A_225 = arith.shli %get3A_219, %shift_left3A_224 : vector<16xi32>
      %bitcast3A_226 = vector.bitcast %shift_left3A_225 : vector<16xi32> to vector<16xf32>
      %ne3A_227 = arith.constant 0.000000e+00 : f32
      %ne3A_228 = vector.broadcast %ne3A_227 : f32 to vector<16xf32>
      %ne3A_229 = arith.cmpf one, %bitcast3A_226, %ne3A_228 : vector<16xf32>
      %select_n3A_230 = arith.select %ne3A_229, %broadcast_in_dim3A_4, %broadcast_in_dim3A_6 : vector<16xi1>, vector<16xf32>
      %add3A_231 = arith.addi %shift_right_logical3A_222, %mul3A_3 : vector<16xi32>
      tpu.vector_store_idx %arg8[%add3A_231], %bitcast3A_226 {add = true} : memref<16768xf32, #tpu.memory_space<vmem>>[vector<16xi32>], vector<16xf32>,
      tpu.vector_store_idx %arg9[%add3A_231], %select_n3A_230 {add = true} : memref<16768xf32, #tpu.memory_space<vmem>>[vector<16xi32>], vector<16xf32>,
      %scan3A_232 = arith.constant 0 : i32
      scf.yield %scan3A_232 : i32
    }
    %scan3A_48 = arith.constant 128 : i32
    %dma_wait3A_49 = tpu.memref_slice %arg2[%add3A_37] : memref<1600000xi32, #tpu.memory_space<hbm>> -> memref<16384xi32, #tpu.memory_space<hbm>>
    %dma_wait3A_50 = tpu.memref_slice %arg2[%add3A_37] : memref<1600000xi32, #tpu.memory_space<hbm>> -> memref<16384xi32, #tpu.memory_space<hbm>>
    tpu.wait_dma2 semaphore(%arg12 : memref<!tpu.dma_semaphore, #tpu.memory_space<semaphore_mem>>) src(%dma_wait3A_50 : memref<16384xi32, #tpu.memory_space<hbm>>) dst(%arg5 : memref<16384xi32, #tpu.memory_space<vmem>>)
    %scan3A_51 = arith.constant 0 : i32
    %scan3A_52 = arith.constant 0 : i32
    %scan3A_53 = arith.constant 128 : i32
    %scan3A_54 = arith.addi %scan3A_52, %scan3A_53 : i32
    %scan3A_55 = arith.constant 1 : i32
    %scan3A_56 = scf.for %scan3A_76 = %scan3A_52 to %scan3A_54 step %scan3A_55 iter_args(%scan3A_77 = %scan3A_51) -> (i32)  : i32 {
      %mul3A_78 = arith.constant 8 : i32
      %mul3A_79 = arith.muli %scan3A_76, %mul3A_78 : i32
      %add3A_80 = arith.constant 0 : i32
      %add3A_81 = arith.addi %mul3A_79, %add3A_80 : i32
      %mul3A_82 = arith.constant 16 : i32
      %mul3A_83 = arith.muli %add3A_81, %mul3A_82 : i32
      %get3A = arith.index_cast %mul3A_83 : i32 to index
      %get3A_84 = tpu.vector_load %arg5[%get3A] {strides = array<i32>} : memref<16384xi32, #tpu.memory_space<vmem>>, vector<16xi32>,
      %shift_right_logical3A = arith.constant 16 : i32
      %shift_right_logical3A_85 = vector.broadcast %shift_right_logical3A : i32 to vector<16xi32>
      %shift_right_logical3A_86 = arith.shrui %get3A_84, %shift_right_logical3A_85 : vector<16xi32>
      %shift_left3A = arith.constant 16 : i32
      %shift_left3A_87 = vector.broadcast %shift_left3A : i32 to vector<16xi32>
      %shift_left3A_88 = arith.shli %get3A_84, %shift_left3A_87 : vector<16xi32>
      %bitcast3A = vector.bitcast %shift_left3A_88 : vector<16xi32> to vector<16xf32>
      %ne3A = arith.constant 0.000000e+00 : f32
      %ne3A_89 = vector.broadcast %ne3A : f32 to vector<16xf32>
      %ne3A_90 = arith.cmpf one, %bitcast3A, %ne3A_89 : vector<16xf32>
      %select_n3A = arith.select %ne3A_90, %broadcast_in_dim3A_4, %broadcast_in_dim3A_6 : vector<16xi1>, vector<16xf32>
      %add3A_91 = arith.addi %shift_right_logical3A_86, %mul3A_3 : vector<16xi32>
      tpu.vector_store_idx %arg8[%add3A_91], %bitcast3A {add = true} : memref<16768xf32, #tpu.memory_space<vmem>>[vector<16xi32>], vector<16xf32>,
      tpu.vector_store_idx %arg9[%add3A_91], %select_n3A {add = true} : memref<16768xf32, #tpu.memory_space<vmem>>[vector<16xi32>], vector<16xf32>,
      %mul3A_92 = arith.constant 8 : i32
      %mul3A_93 = arith.muli %scan3A_76, %mul3A_92 : i32
      %add3A_94 = arith.constant 1 : i32
      %add3A_95 = arith.addi %mul3A_93, %add3A_94 : i32
      %mul3A_96 = arith.constant 16 : i32
      %mul3A_97 = arith.muli %add3A_95, %mul3A_96 : i32
      %get3A_98 = arith.index_cast %mul3A_97 : i32 to index
      %get3A_99 = tpu.vector_load %arg5[%get3A_98] {strides = array<i32>} : memref<16384xi32, #tpu.memory_space<vmem>>, vector<16xi32>,
      %shift_right_logical3A_100 = arith.constant 16 : i32
      %shift_right_logical3A_101 = vector.broadcast %shift_right_logical3A_100 : i32 to vector<16xi32>
      %shift_right_logical3A_102 = arith.shrui %get3A_99, %shift_right_logical3A_101 : vector<16xi32>
      %shift_left3A_103 = arith.constant 16 : i32
      %shift_left3A_104 = vector.broadcast %shift_left3A_103 : i32 to vector<16xi32>
      %shift_left3A_105 = arith.shli %get3A_99, %shift_left3A_104 : vector<16xi32>
      %bitcast3A_106 = vector.bitcast %shift_left3A_105 : vector<16xi32> to vector<16xf32>
      %ne3A_107 = arith.constant 0.000000e+00 : f32
      %ne3A_108 = vector.broadcast %ne3A_107 : f32 to vector<16xf32>
      %ne3A_109 = arith.cmpf one, %bitcast3A_106, %ne3A_108 : vector<16xf32>
      %select_n3A_110 = arith.select %ne3A_109, %broadcast_in_dim3A_4, %broadcast_in_dim3A_6 : vector<16xi1>, vector<16xf32>
      %add3A_111 = arith.addi %shift_right_logical3A_102, %mul3A_3 : vector<16xi32>
      tpu.vector_store_idx %arg8[%add3A_111], %bitcast3A_106 {add = true} : memref<16768xf32, #tpu.memory_space<vmem>>[vector<16xi32>], vector<16xf32>,
      tpu.vector_store_idx %arg9[%add3A_111], %select_n3A_110 {add = true} : memref<16768xf32, #tpu.memory_space<vmem>>[vector<16xi32>], vector<16xf32>,
      %mul3A_112 = arith.constant 8 : i32
      %mul3A_113 = arith.muli %scan3A_76, %mul3A_112 : i32
      %add3A_114 = arith.constant 2 : i32
      %add3A_115 = arith.addi %mul3A_113, %add3A_114 : i32
      %mul3A_116 = arith.constant 16 : i32
      %mul3A_117 = arith.muli %add3A_115, %mul3A_116 : i32
      %get3A_118 = arith.index_cast %mul3A_117 : i32 to index
      %get3A_119 = tpu.vector_load %arg5[%get3A_118] {strides = array<i32>} : memref<16384xi32, #tpu.memory_space<vmem>>, vector<16xi32>,
      %shift_right_logical3A_120 = arith.constant 16 : i32
      %shift_right_logical3A_121 = vector.broadcast %shift_right_logical3A_120 : i32 to vector<16xi32>
      %shift_right_logical3A_122 = arith.shrui %get3A_119, %shift_right_logical3A_121 : vector<16xi32>
      %shift_left3A_123 = arith.constant 16 : i32
      %shift_left3A_124 = vector.broadcast %shift_left3A_123 : i32 to vector<16xi32>
      %shift_left3A_125 = arith.shli %get3A_119, %shift_left3A_124 : vector<16xi32>
      %bitcast3A_126 = vector.bitcast %shift_left3A_125 : vector<16xi32> to vector<16xf32>
      %ne3A_127 = arith.constant 0.000000e+00 : f32
      %ne3A_128 = vector.broadcast %ne3A_127 : f32 to vector<16xf32>
      %ne3A_129 = arith.cmpf one, %bitcast3A_126, %ne3A_128 : vector<16xf32>
      %select_n3A_130 = arith.select %ne3A_129, %broadcast_in_dim3A_4, %broadcast_in_dim3A_6 : vector<16xi1>, vector<16xf32>
      %add3A_131 = arith.addi %shift_right_logical3A_122, %mul3A_3 : vector<16xi32>
      tpu.vector_store_idx %arg8[%add3A_131], %bitcast3A_126 {add = true} : memref<16768xf32, #tpu.memory_space<vmem>>[vector<16xi32>], vector<16xf32>,
      tpu.vector_store_idx %arg9[%add3A_131], %select_n3A_130 {add = true} : memref<16768xf32, #tpu.memory_space<vmem>>[vector<16xi32>], vector<16xf32>,
      %mul3A_132 = arith.constant 8 : i32
      %mul3A_133 = arith.muli %scan3A_76, %mul3A_132 : i32
      %add3A_134 = arith.constant 3 : i32
      %add3A_135 = arith.addi %mul3A_133, %add3A_134 : i32
      %mul3A_136 = arith.constant 16 : i32
      %mul3A_137 = arith.muli %add3A_135, %mul3A_136 : i32
      %get3A_138 = arith.index_cast %mul3A_137 : i32 to index
      %get3A_139 = tpu.vector_load %arg5[%get3A_138] {strides = array<i32>} : memref<16384xi32, #tpu.memory_space<vmem>>, vector<16xi32>,
      %shift_right_logical3A_140 = arith.constant 16 : i32
      %shift_right_logical3A_141 = vector.broadcast %shift_right_logical3A_140 : i32 to vector<16xi32>
      %shift_right_logical3A_142 = arith.shrui %get3A_139, %shift_right_logical3A_141 : vector<16xi32>
      %shift_left3A_143 = arith.constant 16 : i32
      %shift_left3A_144 = vector.broadcast %shift_left3A_143 : i32 to vector<16xi32>
      %shift_left3A_145 = arith.shli %get3A_139, %shift_left3A_144 : vector<16xi32>
      %bitcast3A_146 = vector.bitcast %shift_left3A_145 : vector<16xi32> to vector<16xf32>
      %ne3A_147 = arith.constant 0.000000e+00 : f32
      %ne3A_148 = vector.broadcast %ne3A_147 : f32 to vector<16xf32>
      %ne3A_149 = arith.cmpf one, %bitcast3A_146, %ne3A_148 : vector<16xf32>
      %select_n3A_150 = arith.select %ne3A_149, %broadcast_in_dim3A_4, %broadcast_in_dim3A_6 : vector<16xi1>, vector<16xf32>
      %add3A_151 = arith.addi %shift_right_logical3A_142, %mul3A_3 : vector<16xi32>
      tpu.vector_store_idx %arg8[%add3A_151], %bitcast3A_146 {add = true} : memref<16768xf32, #tpu.memory_space<vmem>>[vector<16xi32>], vector<16xf32>,
      tpu.vector_store_idx %arg9[%add3A_151], %select_n3A_150 {add = true} : memref<16768xf32, #tpu.memory_space<vmem>>[vector<16xi32>], vector<16xf32>,
      %mul3A_152 = arith.constant 8 : i32
      %mul3A_153 = arith.muli %scan3A_76, %mul3A_152 : i32
      %add3A_154 = arith.constant 4 : i32
      %add3A_155 = arith.addi %mul3A_153, %add3A_154 : i32
      %mul3A_156 = arith.constant 16 : i32
      %mul3A_157 = arith.muli %add3A_155, %mul3A_156 : i32
      %get3A_158 = arith.index_cast %mul3A_157 : i32 to index
      %get3A_159 = tpu.vector_load %arg5[%get3A_158] {strides = array<i32>} : memref<16384xi32, #tpu.memory_space<vmem>>, vector<16xi32>,
      %shift_right_logical3A_160 = arith.constant 16 : i32
      %shift_right_logical3A_161 = vector.broadcast %shift_right_logical3A_160 : i32 to vector<16xi32>
      %shift_right_logical3A_162 = arith.shrui %get3A_159, %shift_right_logical3A_161 : vector<16xi32>
      %shift_left3A_163 = arith.constant 16 : i32
      %shift_left3A_164 = vector.broadcast %shift_left3A_163 : i32 to vector<16xi32>
      %shift_left3A_165 = arith.shli %get3A_159, %shift_left3A_164 : vector<16xi32>
      %bitcast3A_166 = vector.bitcast %shift_left3A_165 : vector<16xi32> to vector<16xf32>
      %ne3A_167 = arith.constant 0.000000e+00 : f32
      %ne3A_168 = vector.broadcast %ne3A_167 : f32 to vector<16xf32>
      %ne3A_169 = arith.cmpf one, %bitcast3A_166, %ne3A_168 : vector<16xf32>
      %select_n3A_170 = arith.select %ne3A_169, %broadcast_in_dim3A_4, %broadcast_in_dim3A_6 : vector<16xi1>, vector<16xf32>
      %add3A_171 = arith.addi %shift_right_logical3A_162, %mul3A_3 : vector<16xi32>
      tpu.vector_store_idx %arg8[%add3A_171], %bitcast3A_166 {add = true} : memref<16768xf32, #tpu.memory_space<vmem>>[vector<16xi32>], vector<16xf32>,
      tpu.vector_store_idx %arg9[%add3A_171], %select_n3A_170 {add = true} : memref<16768xf32, #tpu.memory_space<vmem>>[vector<16xi32>], vector<16xf32>,
      %mul3A_172 = arith.constant 8 : i32
      %mul3A_173 = arith.muli %scan3A_76, %mul3A_172 : i32
      %add3A_174 = arith.constant 5 : i32
      %add3A_175 = arith.addi %mul3A_173, %add3A_174 : i32
      %mul3A_176 = arith.constant 16 : i32
      %mul3A_177 = arith.muli %add3A_175, %mul3A_176 : i32
      %get3A_178 = arith.index_cast %mul3A_177 : i32 to index
      %get3A_179 = tpu.vector_load %arg5[%get3A_178] {strides = array<i32>} : memref<16384xi32, #tpu.memory_space<vmem>>, vector<16xi32>,
      %shift_right_logical3A_180 = arith.constant 16 : i32
      %shift_right_logical3A_181 = vector.broadcast %shift_right_logical3A_180 : i32 to vector<16xi32>
      %shift_right_logical3A_182 = arith.shrui %get3A_179, %shift_right_logical3A_181 : vector<16xi32>
      %shift_left3A_183 = arith.constant 16 : i32
      %shift_left3A_184 = vector.broadcast %shift_left3A_183 : i32 to vector<16xi32>
      %shift_left3A_185 = arith.shli %get3A_179, %shift_left3A_184 : vector<16xi32>
      %bitcast3A_186 = vector.bitcast %shift_left3A_185 : vector<16xi32> to vector<16xf32>
      %ne3A_187 = arith.constant 0.000000e+00 : f32
      %ne3A_188 = vector.broadcast %ne3A_187 : f32 to vector<16xf32>
      %ne3A_189 = arith.cmpf one, %bitcast3A_186, %ne3A_188 : vector<16xf32>
      %select_n3A_190 = arith.select %ne3A_189, %broadcast_in_dim3A_4, %broadcast_in_dim3A_6 : vector<16xi1>, vector<16xf32>
      %add3A_191 = arith.addi %shift_right_logical3A_182, %mul3A_3 : vector<16xi32>
      tpu.vector_store_idx %arg8[%add3A_191], %bitcast3A_186 {add = true} : memref<16768xf32, #tpu.memory_space<vmem>>[vector<16xi32>], vector<16xf32>,
      tpu.vector_store_idx %arg9[%add3A_191], %select_n3A_190 {add = true} : memref<16768xf32, #tpu.memory_space<vmem>>[vector<16xi32>], vector<16xf32>,
      %mul3A_192 = arith.constant 8 : i32
      %mul3A_193 = arith.muli %scan3A_76, %mul3A_192 : i32
      %add3A_194 = arith.constant 6 : i32
      %add3A_195 = arith.addi %mul3A_193, %add3A_194 : i32
      %mul3A_196 = arith.constant 16 : i32
      %mul3A_197 = arith.muli %add3A_195, %mul3A_196 : i32
      %get3A_198 = arith.index_cast %mul3A_197 : i32 to index
      %get3A_199 = tpu.vector_load %arg5[%get3A_198] {strides = array<i32>} : memref<16384xi32, #tpu.memory_space<vmem>>, vector<16xi32>,
      %shift_right_logical3A_200 = arith.constant 16 : i32
      %shift_right_logical3A_201 = vector.broadcast %shift_right_logical3A_200 : i32 to vector<16xi32>
      %shift_right_logical3A_202 = arith.shrui %get3A_199, %shift_right_logical3A_201 : vector<16xi32>
      %shift_left3A_203 = arith.constant 16 : i32
      %shift_left3A_204 = vector.broadcast %shift_left3A_203 : i32 to vector<16xi32>
      %shift_left3A_205 = arith.shli %get3A_199, %shift_left3A_204 : vector<16xi32>
      %bitcast3A_206 = vector.bitcast %shift_left3A_205 : vector<16xi32> to vector<16xf32>
      %ne3A_207 = arith.constant 0.000000e+00 : f32
      %ne3A_208 = vector.broadcast %ne3A_207 : f32 to vector<16xf32>
      %ne3A_209 = arith.cmpf one, %bitcast3A_206, %ne3A_208 : vector<16xf32>
      %select_n3A_210 = arith.select %ne3A_209, %broadcast_in_dim3A_4, %broadcast_in_dim3A_6 : vector<16xi1>, vector<16xf32>
      %add3A_211 = arith.addi %shift_right_logical3A_202, %mul3A_3 : vector<16xi32>
      tpu.vector_store_idx %arg8[%add3A_211], %bitcast3A_206 {add = true} : memref<16768xf32, #tpu.memory_space<vmem>>[vector<16xi32>], vector<16xf32>,
      tpu.vector_store_idx %arg9[%add3A_211], %select_n3A_210 {add = true} : memref<16768xf32, #tpu.memory_space<vmem>>[vector<16xi32>], vector<16xf32>,
      %mul3A_212 = arith.constant 8 : i32
      %mul3A_213 = arith.muli %scan3A_76, %mul3A_212 : i32
      %add3A_214 = arith.constant 7 : i32
      %add3A_215 = arith.addi %mul3A_213, %add3A_214 : i32
      %mul3A_216 = arith.constant 16 : i32
      %mul3A_217 = arith.muli %add3A_215, %mul3A_216 : i32
      %get3A_218 = arith.index_cast %mul3A_217 : i32 to index
      %get3A_219 = tpu.vector_load %arg5[%get3A_218] {strides = array<i32>} : memref<16384xi32, #tpu.memory_space<vmem>>, vector<16xi32>,
      %shift_right_logical3A_220 = arith.constant 16 : i32
      %shift_right_logical3A_221 = vector.broadcast %shift_right_logical3A_220 : i32 to vector<16xi32>
      %shift_right_logical3A_222 = arith.shrui %get3A_219, %shift_right_logical3A_221 : vector<16xi32>
      %shift_left3A_223 = arith.constant 16 : i32
      %shift_left3A_224 = vector.broadcast %shift_left3A_223 : i32 to vector<16xi32>
      %shift_left3A_225 = arith.shli %get3A_219, %shift_left3A_224 : vector<16xi32>
      %bitcast3A_226 = vector.bitcast %shift_left3A_225 : vector<16xi32> to vector<16xf32>
      %ne3A_227 = arith.constant 0.000000e+00 : f32
      %ne3A_228 = vector.broadcast %ne3A_227 : f32 to vector<16xf32>
      %ne3A_229 = arith.cmpf one, %bitcast3A_226, %ne3A_228 : vector<16xf32>
      %select_n3A_230 = arith.select %ne3A_229, %broadcast_in_dim3A_4, %broadcast_in_dim3A_6 : vector<16xi1>, vector<16xf32>
      %add3A_231 = arith.addi %shift_right_logical3A_222, %mul3A_3 : vector<16xi32>
      tpu.vector_store_idx %arg8[%add3A_231], %bitcast3A_226 {add = true} : memref<16768xf32, #tpu.memory_space<vmem>>[vector<16xi32>], vector<16xf32>,
      tpu.vector_store_idx %arg9[%add3A_231], %select_n3A_230 {add = true} : memref<16768xf32, #tpu.memory_space<vmem>>[vector<16xi32>], vector<16xf32>,
      %scan3A_232 = arith.constant 0 : i32
      scf.yield %scan3A_232 : i32
    }
    %scan3A_57 = arith.constant 128 : i32
    %while3A = arith.constant 0 : i32
    %while3A_58 = arith.constant 0 : i32
    %while3A_59 = arith.subi %sub3A_22, %while3A : i32
    %while3A_60 = arith.addi %while3A, %while3A_59 : i32
    %while3A_61 = arith.constant 1 : i32
    %while3A_62 = arith.divsi %while3A_59, %while3A_61 : i32
    %while3A_63 = arith.muli %while3A_62, %while3A_61 : i32
    %while3A_64 = arith.addi %while3A, %while3A_63 : i32
    %while3A_65 = arith.constant 1 : i32
    %while3A_66 = scf.for %while3A_76 = %while3A to %while3A_64 step %while3A_65 iter_args(%while3A_77 = %while3A_58) -> (i32)  : i32 {
      %add3A_78 = arith.constant 49152 : i32
      %add3A_79 = arith.addi %mul3A_21, %add3A_78 : i32
      %mul3A_80 = arith.constant 128 : i32
      %mul3A_81 = arith.muli %while3A_76, %mul3A_80 : i32
      %add3A_82 = arith.addi %add3A_79, %mul3A_81 : i32
      "tpu.region"() ({
        %run_scoped3A = tpu.sem_alloc : memref<!tpu.dma_semaphore, #tpu.memory_space<semaphore_mem>>
        %dma_start3A_91 = tpu.memref_slice %arg2[%add3A_82] : memref<1600000xi32, #tpu.memory_space<hbm>> -> memref<128xi32, #tpu.memory_space<hbm>>
        %dma_start3A_92 = tpu.memref_slice %arg2[%add3A_82] : memref<1600000xi32, #tpu.memory_space<hbm>> -> memref<128xi32, #tpu.memory_space<hbm>>
        tpu.enqueue_dma source(%dma_start3A_92 : memref<128xi32, #tpu.memory_space<hbm>>) target(%arg7 : memref<128xi32, #tpu.memory_space<vmem>>) target_semaphore(%run_scoped3A : memref<!tpu.dma_semaphore, #tpu.memory_space<semaphore_mem>>)
        %dma_wait3A_93 = tpu.memref_slice %arg2[%add3A_82] : memref<1600000xi32, #tpu.memory_space<hbm>> -> memref<128xi32, #tpu.memory_space<hbm>>
        %dma_wait3A_94 = tpu.memref_slice %arg2[%add3A_82] : memref<1600000xi32, #tpu.memory_space<hbm>> -> memref<128xi32, #tpu.memory_space<hbm>>
        tpu.wait_dma2 semaphore(%run_scoped3A : memref<!tpu.dma_semaphore, #tpu.memory_space<semaphore_mem>>) src(%dma_wait3A_94 : memref<128xi32, #tpu.memory_space<hbm>>) dst(%arg7 : memref<128xi32, #tpu.memory_space<vmem>>)
        tpu.yield
      }) : () -> ()
      %scan3A_83 = arith.constant 0 : i32
      %scan3A_84 = arith.constant 0 : i32
      %scan3A_85 = arith.constant 8 : i32
      %scan3A_86 = arith.addi %scan3A_84, %scan3A_85 : i32
      %scan3A_87 = arith.constant 1 : i32
      %scan3A_88 = scf.for %scan3A_91 = %scan3A_84 to %scan3A_86 step %scan3A_87 iter_args(%scan3A_92 = %scan3A_83) -> (i32)  : i32 {
        %mul3A_93 = arith.constant 16 : i32
        %mul3A_94 = arith.muli %scan3A_91, %mul3A_93 : i32
        %get3A = arith.index_cast %mul3A_94 : i32 to index
        %get3A_95 = tpu.vector_load %arg7[%get3A] {strides = array<i32>} : memref<128xi32, #tpu.memory_space<vmem>>, vector<16xi32>,
        %shift_right_logical3A = arith.constant 16 : i32
        %shift_right_logical3A_96 = vector.broadcast %shift_right_logical3A : i32 to vector<16xi32>
        %shift_right_logical3A_97 = arith.shrui %get3A_95, %shift_right_logical3A_96 : vector<16xi32>
        %shift_left3A = arith.constant 16 : i32
        %shift_left3A_98 = vector.broadcast %shift_left3A : i32 to vector<16xi32>
        %shift_left3A_99 = arith.shli %get3A_95, %shift_left3A_98 : vector<16xi32>
        %bitcast3A = vector.bitcast %shift_left3A_99 : vector<16xi32> to vector<16xf32>
        %ne3A = arith.constant 0.000000e+00 : f32
        %ne3A_100 = vector.broadcast %ne3A : f32 to vector<16xf32>
        %ne3A_101 = arith.cmpf one, %bitcast3A, %ne3A_100 : vector<16xf32>
        %select_n3A = arith.select %ne3A_101, %broadcast_in_dim3A_4, %broadcast_in_dim3A_6 : vector<16xi1>, vector<16xf32>
        %add3A_102 = arith.addi %shift_right_logical3A_97, %mul3A_3 : vector<16xi32>
        tpu.vector_store_idx %arg8[%add3A_102], %bitcast3A {add = true} : memref<16768xf32, #tpu.memory_space<vmem>>[vector<16xi32>], vector<16xf32>,
        tpu.vector_store_idx %arg9[%add3A_102], %select_n3A {add = true} : memref<16768xf32, #tpu.memory_space<vmem>>[vector<16xi32>], vector<16xf32>,
        %scan3A_103 = arith.constant 0 : i32
        scf.yield %scan3A_103 : i32
      }
      %scan3A_89 = arith.constant 8 : i32
      %while3A_90 = arith.constant 0 : i32
      scf.yield %while3A_90 : i32
    }
    %while3A_67 = arith.constant 1 : i32
    %while3A_68 = scf.for %while3A_76 = %while3A_64 to %while3A_60 step %while3A_67 iter_args(%while3A_77 = %while3A_66) -> (i32)  : i32 {
      %add3A_78 = arith.constant 49152 : i32
      %add3A_79 = arith.addi %mul3A_21, %add3A_78 : i32
      %mul3A_80 = arith.constant 128 : i32
      %mul3A_81 = arith.muli %while3A_76, %mul3A_80 : i32
      %add3A_82 = arith.addi %add3A_79, %mul3A_81 : i32
      "tpu.region"() ({
        %run_scoped3A = tpu.sem_alloc : memref<!tpu.dma_semaphore, #tpu.memory_space<semaphore_mem>>
        %dma_start3A_91 = tpu.memref_slice %arg2[%add3A_82] : memref<1600000xi32, #tpu.memory_space<hbm>> -> memref<128xi32, #tpu.memory_space<hbm>>
        %dma_start3A_92 = tpu.memref_slice %arg2[%add3A_82] : memref<1600000xi32, #tpu.memory_space<hbm>> -> memref<128xi32, #tpu.memory_space<hbm>>
        tpu.enqueue_dma source(%dma_start3A_92 : memref<128xi32, #tpu.memory_space<hbm>>) target(%arg7 : memref<128xi32, #tpu.memory_space<vmem>>) target_semaphore(%run_scoped3A : memref<!tpu.dma_semaphore, #tpu.memory_space<semaphore_mem>>)
        %dma_wait3A_93 = tpu.memref_slice %arg2[%add3A_82] : memref<1600000xi32, #tpu.memory_space<hbm>> -> memref<128xi32, #tpu.memory_space<hbm>>
        %dma_wait3A_94 = tpu.memref_slice %arg2[%add3A_82] : memref<1600000xi32, #tpu.memory_space<hbm>> -> memref<128xi32, #tpu.memory_space<hbm>>
        tpu.wait_dma2 semaphore(%run_scoped3A : memref<!tpu.dma_semaphore, #tpu.memory_space<semaphore_mem>>) src(%dma_wait3A_94 : memref<128xi32, #tpu.memory_space<hbm>>) dst(%arg7 : memref<128xi32, #tpu.memory_space<vmem>>)
        tpu.yield
      }) : () -> ()
      %scan3A_83 = arith.constant 0 : i32
      %scan3A_84 = arith.constant 0 : i32
      %scan3A_85 = arith.constant 8 : i32
      %scan3A_86 = arith.addi %scan3A_84, %scan3A_85 : i32
      %scan3A_87 = arith.constant 1 : i32
      %scan3A_88 = scf.for %scan3A_91 = %scan3A_84 to %scan3A_86 step %scan3A_87 iter_args(%scan3A_92 = %scan3A_83) -> (i32)  : i32 {
        %mul3A_93 = arith.constant 16 : i32
        %mul3A_94 = arith.muli %scan3A_91, %mul3A_93 : i32
        %get3A = arith.index_cast %mul3A_94 : i32 to index
        %get3A_95 = tpu.vector_load %arg7[%get3A] {strides = array<i32>} : memref<128xi32, #tpu.memory_space<vmem>>, vector<16xi32>,
        %shift_right_logical3A = arith.constant 16 : i32
        %shift_right_logical3A_96 = vector.broadcast %shift_right_logical3A : i32 to vector<16xi32>
        %shift_right_logical3A_97 = arith.shrui %get3A_95, %shift_right_logical3A_96 : vector<16xi32>
        %shift_left3A = arith.constant 16 : i32
        %shift_left3A_98 = vector.broadcast %shift_left3A : i32 to vector<16xi32>
        %shift_left3A_99 = arith.shli %get3A_95, %shift_left3A_98 : vector<16xi32>
        %bitcast3A = vector.bitcast %shift_left3A_99 : vector<16xi32> to vector<16xf32>
        %ne3A = arith.constant 0.000000e+00 : f32
        %ne3A_100 = vector.broadcast %ne3A : f32 to vector<16xf32>
        %ne3A_101 = arith.cmpf one, %bitcast3A, %ne3A_100 : vector<16xf32>
        %select_n3A = arith.select %ne3A_101, %broadcast_in_dim3A_4, %broadcast_in_dim3A_6 : vector<16xi1>, vector<16xf32>
        %add3A_102 = arith.addi %shift_right_logical3A_97, %mul3A_3 : vector<16xi32>
        tpu.vector_store_idx %arg8[%add3A_102], %bitcast3A {add = true} : memref<16768xf32, #tpu.memory_space<vmem>>[vector<16xi32>], vector<16xf32>,
        tpu.vector_store_idx %arg9[%add3A_102], %select_n3A {add = true} : memref<16768xf32, #tpu.memory_space<vmem>>[vector<16xi32>], vector<16xf32>,
        %scan3A_103 = arith.constant 0 : i32
        scf.yield %scan3A_103 : i32
      }
      %scan3A_89 = arith.constant 8 : i32
      %while3A_90 = arith.constant 0 : i32
      scf.yield %while3A_90 : i32
    }
    %scan3A_69 = arith.constant 0 : i32
    %scan3A_70 = arith.constant 0 : i32
    %scan3A_71 = arith.constant 64 : i32
    %scan3A_72 = arith.addi %scan3A_70, %scan3A_71 : i32
    %scan3A_73 = arith.constant 1 : i32
    %scan3A_74 = scf.for %scan3A_76 = %scan3A_70 to %scan3A_72 step %scan3A_73 iter_args(%scan3A_77 = %scan3A_69) -> (i32)  : i32 {
      %mul3A_78 = arith.constant 16 : i32
      %mul3A_79 = arith.muli %scan3A_76, %mul3A_78 : i32
      %broadcast_in_dim3A_80 = arith.constant 0.000000e+00 : f32
      %broadcast_in_dim3A_81 = vector.broadcast %broadcast_in_dim3A_80 : f32 to vector<16xf32>
      %broadcast_in_dim3A_82 = arith.constant 0.000000e+00 : f32
      %broadcast_in_dim3A_83 = vector.broadcast %broadcast_in_dim3A_82 : f32 to vector<16xf32>
      %add3A_84 = arith.constant 0 : i32
      %add3A_85 = arith.addi %add3A_84, %mul3A_79 : i32
      %get3A = arith.index_cast %add3A_85 : i32 to index
      %get3A_86 = tpu.vector_load %arg8[%get3A] {strides = array<i32>} : memref<16768xf32, #tpu.memory_space<vmem>>, vector<16xf32>,
      %add3A_87 = arith.addf %broadcast_in_dim3A_81, %get3A_86 : vector<16xf32>
      %add3A_88 = arith.constant 0 : i32
      %add3A_89 = arith.addi %add3A_88, %mul3A_79 : i32
      %get3A_90 = arith.index_cast %add3A_89 : i32 to index
      %get3A_91 = tpu.vector_load %arg9[%get3A_90] {strides = array<i32>} : memref<16768xf32, #tpu.memory_space<vmem>>, vector<16xf32>,
      %add3A_92 = arith.addf %broadcast_in_dim3A_83, %get3A_91 : vector<16xf32>
      %add3A_93 = arith.constant 1041 : i32
      %add3A_94 = arith.addi %add3A_93, %mul3A_79 : i32
      %get3A_95 = arith.index_cast %add3A_94 : i32 to index
      %get3A_96 = tpu.vector_load %arg8[%get3A_95] {strides = array<i32>} : memref<16768xf32, #tpu.memory_space<vmem>>, vector<16xf32>,
      %add3A_97 = arith.addf %add3A_87, %get3A_96 : vector<16xf32>
      %add3A_98 = arith.constant 1041 : i32
      %add3A_99 = arith.addi %add3A_98, %mul3A_79 : i32
      %get3A_100 = arith.index_cast %add3A_99 : i32 to index
      %get3A_101 = tpu.vector_load %arg9[%get3A_100] {strides = array<i32>} : memref<16768xf32, #tpu.memory_space<vmem>>, vector<16xf32>,
      %add3A_102 = arith.addf %add3A_92, %get3A_101 : vector<16xf32>
      %add3A_103 = arith.constant 2082 : i32
      %add3A_104 = arith.addi %add3A_103, %mul3A_79 : i32
      %get3A_105 = arith.index_cast %add3A_104 : i32 to index
      %get3A_106 = tpu.vector_load %arg8[%get3A_105] {strides = array<i32>} : memref<16768xf32, #tpu.memory_space<vmem>>, vector<16xf32>,
      %add3A_107 = arith.addf %add3A_97, %get3A_106 : vector<16xf32>
      %add3A_108 = arith.constant 2082 : i32
      %add3A_109 = arith.addi %add3A_108, %mul3A_79 : i32
      %get3A_110 = arith.index_cast %add3A_109 : i32 to index
      %get3A_111 = tpu.vector_load %arg9[%get3A_110] {strides = array<i32>} : memref<16768xf32, #tpu.memory_space<vmem>>, vector<16xf32>,
      %add3A_112 = arith.addf %add3A_102, %get3A_111 : vector<16xf32>
      %add3A_113 = arith.constant 3123 : i32
      %add3A_114 = arith.addi %add3A_113, %mul3A_79 : i32
      %get3A_115 = arith.index_cast %add3A_114 : i32 to index
      %get3A_116 = tpu.vector_load %arg8[%get3A_115] {strides = array<i32>} : memref<16768xf32, #tpu.memory_space<vmem>>, vector<16xf32>,
      %add3A_117 = arith.addf %add3A_107, %get3A_116 : vector<16xf32>
      %add3A_118 = arith.constant 3123 : i32
      %add3A_119 = arith.addi %add3A_118, %mul3A_79 : i32
      %get3A_120 = arith.index_cast %add3A_119 : i32 to index
      %get3A_121 = tpu.vector_load %arg9[%get3A_120] {strides = array<i32>} : memref<16768xf32, #tpu.memory_space<vmem>>, vector<16xf32>,
      %add3A_122 = arith.addf %add3A_112, %get3A_121 : vector<16xf32>
      %add3A_123 = arith.constant 4164 : i32
      %add3A_124 = arith.addi %add3A_123, %mul3A_79 : i32
      %get3A_125 = arith.index_cast %add3A_124 : i32 to index
      %get3A_126 = tpu.vector_load %arg8[%get3A_125] {strides = array<i32>} : memref<16768xf32, #tpu.memory_space<vmem>>, vector<16xf32>,
      %add3A_127 = arith.addf %add3A_117, %get3A_126 : vector<16xf32>
      %add3A_128 = arith.constant 4164 : i32
      %add3A_129 = arith.addi %add3A_128, %mul3A_79 : i32
      %get3A_130 = arith.index_cast %add3A_129 : i32 to index
      %get3A_131 = tpu.vector_load %arg9[%get3A_130] {strides = array<i32>} : memref<16768xf32, #tpu.memory_space<vmem>>, vector<16xf32>,
      %add3A_132 = arith.addf %add3A_122, %get3A_131 : vector<16xf32>
      %add3A_133 = arith.constant 5205 : i32
      %add3A_134 = arith.addi %add3A_133, %mul3A_79 : i32
      %get3A_135 = arith.index_cast %add3A_134 : i32 to index
      %get3A_136 = tpu.vector_load %arg8[%get3A_135] {strides = array<i32>} : memref<16768xf32, #tpu.memory_space<vmem>>, vector<16xf32>,
      %add3A_137 = arith.addf %add3A_127, %get3A_136 : vector<16xf32>
      %add3A_138 = arith.constant 5205 : i32
      %add3A_139 = arith.addi %add3A_138, %mul3A_79 : i32
      %get3A_140 = arith.index_cast %add3A_139 : i32 to index
      %get3A_141 = tpu.vector_load %arg9[%get3A_140] {strides = array<i32>} : memref<16768xf32, #tpu.memory_space<vmem>>, vector<16xf32>,
      %add3A_142 = arith.addf %add3A_132, %get3A_141 : vector<16xf32>
      %add3A_143 = arith.constant 6246 : i32
      %add3A_144 = arith.addi %add3A_143, %mul3A_79 : i32
      %get3A_145 = arith.index_cast %add3A_144 : i32 to index
      %get3A_146 = tpu.vector_load %arg8[%get3A_145] {strides = array<i32>} : memref<16768xf32, #tpu.memory_space<vmem>>, vector<16xf32>,
      %add3A_147 = arith.addf %add3A_137, %get3A_146 : vector<16xf32>
      %add3A_148 = arith.constant 6246 : i32
      %add3A_149 = arith.addi %add3A_148, %mul3A_79 : i32
      %get3A_150 = arith.index_cast %add3A_149 : i32 to index
      %get3A_151 = tpu.vector_load %arg9[%get3A_150] {strides = array<i32>} : memref<16768xf32, #tpu.memory_space<vmem>>, vector<16xf32>,
      %add3A_152 = arith.addf %add3A_142, %get3A_151 : vector<16xf32>
      %add3A_153 = arith.constant 7287 : i32
      %add3A_154 = arith.addi %add3A_153, %mul3A_79 : i32
      %get3A_155 = arith.index_cast %add3A_154 : i32 to index
      %get3A_156 = tpu.vector_load %arg8[%get3A_155] {strides = array<i32>} : memref<16768xf32, #tpu.memory_space<vmem>>, vector<16xf32>,
      %add3A_157 = arith.addf %add3A_147, %get3A_156 : vector<16xf32>
      %add3A_158 = arith.constant 7287 : i32
      %add3A_159 = arith.addi %add3A_158, %mul3A_79 : i32
      %get3A_160 = arith.index_cast %add3A_159 : i32 to index
      %get3A_161 = tpu.vector_load %arg9[%get3A_160] {strides = array<i32>} : memref<16768xf32, #tpu.memory_space<vmem>>, vector<16xf32>,
      %add3A_162 = arith.addf %add3A_152, %get3A_161 : vector<16xf32>
      %add3A_163 = arith.constant 8328 : i32
      %add3A_164 = arith.addi %add3A_163, %mul3A_79 : i32
      %get3A_165 = arith.index_cast %add3A_164 : i32 to index
      %get3A_166 = tpu.vector_load %arg8[%get3A_165] {strides = array<i32>} : memref<16768xf32, #tpu.memory_space<vmem>>, vector<16xf32>,
      %add3A_167 = arith.addf %add3A_157, %get3A_166 : vector<16xf32>
      %add3A_168 = arith.constant 8328 : i32
      %add3A_169 = arith.addi %add3A_168, %mul3A_79 : i32
      %get3A_170 = arith.index_cast %add3A_169 : i32 to index
      %get3A_171 = tpu.vector_load %arg9[%get3A_170] {strides = array<i32>} : memref<16768xf32, #tpu.memory_space<vmem>>, vector<16xf32>,
      %add3A_172 = arith.addf %add3A_162, %get3A_171 : vector<16xf32>
      %add3A_173 = arith.constant 9369 : i32
      %add3A_174 = arith.addi %add3A_173, %mul3A_79 : i32
      %get3A_175 = arith.index_cast %add3A_174 : i32 to index
      %get3A_176 = tpu.vector_load %arg8[%get3A_175] {strides = array<i32>} : memref<16768xf32, #tpu.memory_space<vmem>>, vector<16xf32>,
      %add3A_177 = arith.addf %add3A_167, %get3A_176 : vector<16xf32>
      %add3A_178 = arith.constant 9369 : i32
      %add3A_179 = arith.addi %add3A_178, %mul3A_79 : i32
      %get3A_180 = arith.index_cast %add3A_179 : i32 to index
      %get3A_181 = tpu.vector_load %arg9[%get3A_180] {strides = array<i32>} : memref<16768xf32, #tpu.memory_space<vmem>>, vector<16xf32>,
      %add3A_182 = arith.addf %add3A_172, %get3A_181 : vector<16xf32>
      %add3A_183 = arith.constant 10410 : i32
      %add3A_184 = arith.addi %add3A_183, %mul3A_79 : i32
      %get3A_185 = arith.index_cast %add3A_184 : i32 to index
      %get3A_186 = tpu.vector_load %arg8[%get3A_185] {strides = array<i32>} : memref<16768xf32, #tpu.memory_space<vmem>>, vector<16xf32>,
      %add3A_187 = arith.addf %add3A_177, %get3A_186 : vector<16xf32>
      %add3A_188 = arith.constant 10410 : i32
      %add3A_189 = arith.addi %add3A_188, %mul3A_79 : i32
      %get3A_190 = arith.index_cast %add3A_189 : i32 to index
      %get3A_191 = tpu.vector_load %arg9[%get3A_190] {strides = array<i32>} : memref<16768xf32, #tpu.memory_space<vmem>>, vector<16xf32>,
      %add3A_192 = arith.addf %add3A_182, %get3A_191 : vector<16xf32>
      %add3A_193 = arith.constant 11451 : i32
      %add3A_194 = arith.addi %add3A_193, %mul3A_79 : i32
      %get3A_195 = arith.index_cast %add3A_194 : i32 to index
      %get3A_196 = tpu.vector_load %arg8[%get3A_195] {strides = array<i32>} : memref<16768xf32, #tpu.memory_space<vmem>>, vector<16xf32>,
      %add3A_197 = arith.addf %add3A_187, %get3A_196 : vector<16xf32>
      %add3A_198 = arith.constant 11451 : i32
      %add3A_199 = arith.addi %add3A_198, %mul3A_79 : i32
      %get3A_200 = arith.index_cast %add3A_199 : i32 to index
      %get3A_201 = tpu.vector_load %arg9[%get3A_200] {strides = array<i32>} : memref<16768xf32, #tpu.memory_space<vmem>>, vector<16xf32>,
      %add3A_202 = arith.addf %add3A_192, %get3A_201 : vector<16xf32>
      %add3A_203 = arith.constant 12492 : i32
      %add3A_204 = arith.addi %add3A_203, %mul3A_79 : i32
      %get3A_205 = arith.index_cast %add3A_204 : i32 to index
      %get3A_206 = tpu.vector_load %arg8[%get3A_205] {strides = array<i32>} : memref<16768xf32, #tpu.memory_space<vmem>>, vector<16xf32>,
      %add3A_207 = arith.addf %add3A_197, %get3A_206 : vector<16xf32>
      %add3A_208 = arith.constant 12492 : i32
      %add3A_209 = arith.addi %add3A_208, %mul3A_79 : i32
      %get3A_210 = arith.index_cast %add3A_209 : i32 to index
      %get3A_211 = tpu.vector_load %arg9[%get3A_210] {strides = array<i32>} : memref<16768xf32, #tpu.memory_space<vmem>>, vector<16xf32>,
      %add3A_212 = arith.addf %add3A_202, %get3A_211 : vector<16xf32>
      %add3A_213 = arith.constant 13533 : i32
      %add3A_214 = arith.addi %add3A_213, %mul3A_79 : i32
      %get3A_215 = arith.index_cast %add3A_214 : i32 to index
      %get3A_216 = tpu.vector_load %arg8[%get3A_215] {strides = array<i32>} : memref<16768xf32, #tpu.memory_space<vmem>>, vector<16xf32>,
      %add3A_217 = arith.addf %add3A_207, %get3A_216 : vector<16xf32>
      %add3A_218 = arith.constant 13533 : i32
      %add3A_219 = arith.addi %add3A_218, %mul3A_79 : i32
      %get3A_220 = arith.index_cast %add3A_219 : i32 to index
      %get3A_221 = tpu.vector_load %arg9[%get3A_220] {strides = array<i32>} : memref<16768xf32, #tpu.memory_space<vmem>>, vector<16xf32>,
      %add3A_222 = arith.addf %add3A_212, %get3A_221 : vector<16xf32>
      %add3A_223 = arith.constant 14574 : i32
      %add3A_224 = arith.addi %add3A_223, %mul3A_79 : i32
      %get3A_225 = arith.index_cast %add3A_224 : i32 to index
      %get3A_226 = tpu.vector_load %arg8[%get3A_225] {strides = array<i32>} : memref<16768xf32, #tpu.memory_space<vmem>>, vector<16xf32>,
      %add3A_227 = arith.addf %add3A_217, %get3A_226 : vector<16xf32>
      %add3A_228 = arith.constant 14574 : i32
      %add3A_229 = arith.addi %add3A_228, %mul3A_79 : i32
      %get3A_230 = arith.index_cast %add3A_229 : i32 to index
      %get3A_231 = tpu.vector_load %arg9[%get3A_230] {strides = array<i32>} : memref<16768xf32, #tpu.memory_space<vmem>>, vector<16xf32>,
      %add3A_232 = arith.addf %add3A_222, %get3A_231 : vector<16xf32>
      %add3A_233 = arith.constant 15615 : i32
      %add3A_234 = arith.addi %add3A_233, %mul3A_79 : i32
      %get3A_235 = arith.index_cast %add3A_234 : i32 to index
      %get3A_236 = tpu.vector_load %arg8[%get3A_235] {strides = array<i32>} : memref<16768xf32, #tpu.memory_space<vmem>>, vector<16xf32>,
      %add3A_237 = arith.addf %add3A_227, %get3A_236 : vector<16xf32>
      %add3A_238 = arith.constant 15615 : i32
      %add3A_239 = arith.addi %add3A_238, %mul3A_79 : i32
      %get3A_240 = arith.index_cast %add3A_239 : i32 to index
      %get3A_241 = tpu.vector_load %arg9[%get3A_240] {strides = array<i32>} : memref<16768xf32, #tpu.memory_space<vmem>>, vector<16xf32>,
      %add3A_242 = arith.addf %add3A_232, %get3A_241 : vector<16xf32>
      %swap3A = arith.index_cast %mul3A_79 : i32 to index
      %swap3A_243 = tpu.vector_load %arg10[%swap3A] {strides = array<i32>} : memref<1024xf32, #tpu.memory_space<vmem>>, vector<16xf32>,
      tpu.vector_store %arg10[%swap3A], %add3A_237 {strides = array<i32>} : memref<1024xf32, #tpu.memory_space<vmem>>, vector<16xf32>,
      %swap3A_244 = arith.index_cast %mul3A_79 : i32 to index
      %swap3A_245 = tpu.vector_load %arg11[%swap3A_244] {strides = array<i32>} : memref<1024xf32, #tpu.memory_space<vmem>>, vector<16xf32>,
      tpu.vector_store %arg11[%swap3A_244], %add3A_242 {strides = array<i32>} : memref<1024xf32, #tpu.memory_space<vmem>>, vector<16xf32>,
      %scan3A_246 = arith.constant 0 : i32
      scf.yield %scan3A_246 : i32
    }
    %scan3A_75 = arith.constant 64 : i32
    "tpu.region"() ({
      %run_scoped3A = tpu.sem_alloc : memref<!tpu.dma_semaphore, #tpu.memory_space<semaphore_mem>>
      %dma_start3A_76 = arith.constant 0 : i32
      %dma_start3A_77 = tpu.memref_slice %arg3[%add3A, %dma_start3A_76] : memref<32x1024xf32, #tpu.memory_space<hbm>> -> memref<1x1024xf32, #tpu.memory_space<hbm>>
      %dma_start3A_78 = tpu.memref_squeeze %dma_start3A_77 : memref<1x1024xf32, #tpu.memory_space<hbm>> -> memref<1024xf32, #tpu.memory_space<hbm>>
      %dma_start3A_79 = arith.constant 0 : i32
      %dma_start3A_80 = tpu.memref_slice %arg3[%add3A, %dma_start3A_79] : memref<32x1024xf32, #tpu.memory_space<hbm>> -> memref<1x1024xf32, #tpu.memory_space<hbm>>
      %dma_start3A_81 = tpu.memref_squeeze %dma_start3A_80 : memref<1x1024xf32, #tpu.memory_space<hbm>> -> memref<1024xf32, #tpu.memory_space<hbm>>
      tpu.enqueue_dma source(%arg10 : memref<1024xf32, #tpu.memory_space<vmem>>) target(%dma_start3A_81 : memref<1024xf32, #tpu.memory_space<hbm>>) target_semaphore(%run_scoped3A : memref<!tpu.dma_semaphore, #tpu.memory_space<semaphore_mem>>)
      %dma_wait3A_82 = arith.constant 0 : i32
      %dma_wait3A_83 = tpu.memref_slice %arg3[%add3A, %dma_wait3A_82] : memref<32x1024xf32, #tpu.memory_space<hbm>> -> memref<1x1024xf32, #tpu.memory_space<hbm>>
      %dma_wait3A_84 = tpu.memref_squeeze %dma_wait3A_83 : memref<1x1024xf32, #tpu.memory_space<hbm>> -> memref<1024xf32, #tpu.memory_space<hbm>>
      %dma_wait3A_85 = arith.constant 0 : i32
      %dma_wait3A_86 = tpu.memref_slice %arg3[%add3A, %dma_wait3A_85] : memref<32x1024xf32, #tpu.memory_space<hbm>> -> memref<1x1024xf32, #tpu.memory_space<hbm>>
      %dma_wait3A_87 = tpu.memref_squeeze %dma_wait3A_86 : memref<1x1024xf32, #tpu.memory_space<hbm>> -> memref<1024xf32, #tpu.memory_space<hbm>>
      tpu.wait_dma2 semaphore(%run_scoped3A : memref<!tpu.dma_semaphore, #tpu.memory_space<semaphore_mem>>) src(%arg10 : memref<1024xf32, #tpu.memory_space<vmem>>) dst(%dma_wait3A_87 : memref<1024xf32, #tpu.memory_space<hbm>>)
      tpu.yield
    }) : () -> ()
    "tpu.region"() ({
      %run_scoped3A = tpu.sem_alloc : memref<!tpu.dma_semaphore, #tpu.memory_space<semaphore_mem>>
      %dma_start3A_76 = arith.constant 0 : i32
      %dma_start3A_77 = tpu.memref_slice %arg4[%add3A, %dma_start3A_76] : memref<32x1024xf32, #tpu.memory_space<hbm>> -> memref<1x1024xf32, #tpu.memory_space<hbm>>
      %dma_start3A_78 = tpu.memref_squeeze %dma_start3A_77 : memref<1x1024xf32, #tpu.memory_space<hbm>> -> memref<1024xf32, #tpu.memory_space<hbm>>
      %dma_start3A_79 = arith.constant 0 : i32
      %dma_start3A_80 = tpu.memref_slice %arg4[%add3A, %dma_start3A_79] : memref<32x1024xf32, #tpu.memory_space<hbm>> -> memref<1x1024xf32, #tpu.memory_space<hbm>>
      %dma_start3A_81 = tpu.memref_squeeze %dma_start3A_80 : memref<1x1024xf32, #tpu.memory_space<hbm>> -> memref<1024xf32, #tpu.memory_space<hbm>>
      tpu.enqueue_dma source(%arg11 : memref<1024xf32, #tpu.memory_space<vmem>>) target(%dma_start3A_81 : memref<1024xf32, #tpu.memory_space<hbm>>) target_semaphore(%run_scoped3A : memref<!tpu.dma_semaphore, #tpu.memory_space<semaphore_mem>>)
      %dma_wait3A_82 = arith.constant 0 : i32
      %dma_wait3A_83 = tpu.memref_slice %arg4[%add3A, %dma_wait3A_82] : memref<32x1024xf32, #tpu.memory_space<hbm>> -> memref<1x1024xf32, #tpu.memory_space<hbm>>
      %dma_wait3A_84 = tpu.memref_squeeze %dma_wait3A_83 : memref<1x1024xf32, #tpu.memory_space<hbm>> -> memref<1024xf32, #tpu.memory_space<hbm>>
      %dma_wait3A_85 = arith.constant 0 : i32
      %dma_wait3A_86 = tpu.memref_slice %arg4[%add3A, %dma_wait3A_85] : memref<32x1024xf32, #tpu.memory_space<hbm>> -> memref<1x1024xf32, #tpu.memory_space<hbm>>
      %dma_wait3A_87 = tpu.memref_squeeze %dma_wait3A_86 : memref<1x1024xf32, #tpu.memory_space<hbm>> -> memref<1024xf32, #tpu.memory_space<hbm>>
      tpu.wait_dma2 semaphore(%run_scoped3A : memref<!tpu.dma_semaphore, #tpu.memory_space<semaphore_mem>>) src(%arg11 : memref<1024xf32, #tpu.memory_space<vmem>>) dst(%dma_wait3A_87 : memref<1024xf32, #tpu.memory_space<hbm>>)
      tpu.yield
    }) : () -> ()
    return
  }
}

module attributes {stable_mosaic.version = 14 : i64} {
  func.func @_tc_main(%arg0: i32, %arg1: memref<32x16384xf32, #tpu.memory_space<vmem>>, %arg2: memref<16384xi32, #tpu.memory_space<vmem>>, %arg3: memref<16384xi8, #tpu.memory_space<vmem>>, %arg4: memref<16384xi32, #tpu.memory_space<vmem>>, %arg5: memref<32x16384xf32, #tpu.memory_space<vmem>>, %arg6: memref<16384xi32, #tpu.memory_space<vmem>>) attributes {dimension_semantics = [#tpu.dimension_semantics<arbitrary>], iteration_bounds = array<i64: 98>, scalar_prefetch = 0 : i64, scratch_operands = 0 : i64, tpu.core_type = #tpu.core_type<tc>, window_params = [{transform_indices = @transform_0, window_bounds = array<i64: 32, 16384>}, {transform_indices = @transform_1, window_bounds = array<i64: 16384>}, {transform_indices = @transform_2, window_bounds = array<i64: 16384>}, {transform_indices = @transform_3, window_bounds = array<i64: 16384>}, {transform_indices = @transform_4, window_bounds = array<i64: 32, 16384>}, {transform_indices = @transform_5, window_bounds = array<i64: 16384>}]} {
    %get3A = arith.constant 0 : index
    %get3A_0 = arith.constant 0 : index
    %get3A_1 = vector.load %arg1[%get3A, %get3A_0] : memref<32x16384xf32, #tpu.memory_space<vmem>>, vector<32x16384xf32>
    %exp3A = math.exp %get3A_1 : vector<32x16384xf32>
    %reduce_sum3A = arith.constant dense<0.000000e+00> : vector<16384xf32>
    %reduce_sum3A_2 = vector.multi_reduction <add>, %exp3A, %reduce_sum3A [0] : vector<32x16384xf32> to vector<16384xf32>
    %broadcast_in_dim3A = vector.shape_cast %reduce_sum3A_2 : vector<16384xf32> to vector<1x16384xf32>
    %div3A = arith.constant 1.000000e+00 : f32
    %div3A_3 = vector.broadcast %div3A : f32 to vector<1x16384xf32>
    %div3A_4 = arith.divf %div3A_3, %broadcast_in_dim3A : vector<1x16384xf32>
    %mul3A = vector.broadcast %div3A_4 : vector<1x16384xf32> to vector<32x16384xf32>
    %mul3A_5 = arith.mulf %exp3A, %mul3A : vector<32x16384xf32>
    %swap3A = arith.constant 0 : index
    %swap3A_6 = arith.constant 0 : index
    %swap3A_7 = vector.load %arg5[%swap3A, %swap3A_6] : memref<32x16384xf32, #tpu.memory_space<vmem>>, vector<32x16384xf32>
    tpu.vector_store %arg5[%swap3A, %swap3A_6], %mul3A_5 {strides = array<i32>} : memref<32x16384xf32, #tpu.memory_space<vmem>>, vector<32x16384xf32>,
    %exp3A_8 = math.exp %mul3A_5 : vector<32x16384xf32>
    %reduce_sum3A_9 = arith.constant dense<0.000000e+00> : vector<16384xf32>
    %reduce_sum3A_10 = vector.multi_reduction <add>, %exp3A_8, %reduce_sum3A_9 [0] : vector<32x16384xf32> to vector<16384xf32>
    %broadcast_in_dim3A_11 = vector.shape_cast %reduce_sum3A_10 : vector<16384xf32> to vector<1x16384xf32>
    %log3A = math.log %broadcast_in_dim3A_11 : vector<1x16384xf32>
    %iota3A = tpu.iota {dimensions = array<i32: 0>} : vector<32x16384xi32>
    %get3A_12 = arith.constant 0 : index
    %get3A_13 = vector.load %arg2[%get3A_12] : memref<16384xi32, #tpu.memory_space<vmem>>, vector<16384xi32>
    %reshape3A = vector.shape_cast %get3A_13 : vector<16384xi32> to vector<1x16384xi32>
    %eq3A = vector.broadcast %reshape3A : vector<1x16384xi32> to vector<32x16384xi32>
    %eq3A_14 = arith.cmpi eq, %iota3A, %eq3A : vector<32x16384xi32>
    %jit3A = arith.constant 0.000000e+00 : f32
    %broadcast_in_dim3A_15 = vector.broadcast %jit3A : f32 to vector<32x16384xf32>
    %select_n3A = arith.select %eq3A_14, %mul3A_5, %broadcast_in_dim3A_15 : vector<32x16384xi1>, vector<32x16384xf32>
    %reduce_sum3A_16 = arith.constant dense<0.000000e+00> : vector<16384xf32>
    %reduce_sum3A_17 = vector.multi_reduction <add>, %select_n3A, %reduce_sum3A_16 [0] : vector<32x16384xf32> to vector<16384xf32>
    %broadcast_in_dim3A_18 = vector.shape_cast %reduce_sum3A_17 : vector<16384xf32> to vector<1x16384xf32>
    %get3A_19 = arith.constant 0 : index
    %get3A_20 = vector.load %arg3[%get3A_19] : memref<16384xi8, #tpu.memory_space<vmem>>, vector<16384xi8>
    %convert_element_type3A = arith.sitofp %get3A_20 : vector<16384xi8> to vector<16384xf32>
    %sub3A = arith.subf %log3A, %broadcast_in_dim3A_18 : vector<1x16384xf32>
    %reshape3A_21 = vector.shape_cast %convert_element_type3A : vector<16384xf32> to vector<1x16384xf32>
    %mul3A_22 = arith.mulf %sub3A, %reshape3A_21 : vector<1x16384xf32>
    %reshape3A_23 = vector.shape_cast %mul3A_22 : vector<1x16384xf32> to vector<16384xf32>
    %bitcast_convert_type3A = tpu.bitcast %reshape3A_23 : vector<16384xf32> -> vector<16384xi32>
    %add3A = arith.constant 32768 : i32
    %add3A_24 = vector.broadcast %add3A : i32 to vector<16384xi32>
    %add3A_25 = arith.addi %bitcast_convert_type3A, %add3A_24 : vector<16384xi32>
    %get3A_26 = arith.constant 0 : index
    %get3A_27 = vector.load %arg4[%get3A_26] : memref<16384xi32, #tpu.memory_space<vmem>>, vector<16384xi32>
    %shift_left3A = arith.constant 16 : i32
    %shift_left3A_28 = vector.broadcast %shift_left3A : i32 to vector<16384xi32>
    %shift_left3A_29 = arith.shli %get3A_27, %shift_left3A_28 : vector<16384xi32>
    %shift_right_logical3A = arith.constant 16 : i32
    %shift_right_logical3A_30 = vector.broadcast %shift_right_logical3A : i32 to vector<16384xi32>
    %shift_right_logical3A_31 = arith.shrui %add3A_25, %shift_right_logical3A_30 : vector<16384xi32>
    %or3A = arith.ori %shift_left3A_29, %shift_right_logical3A_31 : vector<16384xi32>
    %swap3A_32 = arith.constant 0 : index
    %swap3A_33 = vector.load %arg6[%swap3A_32] : memref<16384xi32, #tpu.memory_space<vmem>>, vector<16384xi32>
    tpu.vector_store %arg6[%swap3A_32], %or3A {strides = array<i32>} : memref<16384xi32, #tpu.memory_space<vmem>>, vector<16384xi32>,
    return
  }
  func.func @transform_0(%arg0: i32) -> (i32, i32) {
    %c0_i32 = arith.constant 0 : i32
    %c0_i32_0 = arith.constant 0 : i32
    return %c0_i32, %arg0 : i32, i32
  }
  func.func @transform_1(%arg0: i32) -> i32 {
    %c0_i32 = arith.constant 0 : i32
    return %arg0 : i32
  }
  func.func @transform_2(%arg0: i32) -> i32 {
    %c0_i32 = arith.constant 0 : i32
    return %arg0 : i32
  }
  func.func @transform_3(%arg0: i32) -> i32 {
    %c0_i32 = arith.constant 0 : i32
    return %arg0 : i32
  }
  func.func @transform_4(%arg0: i32) -> (i32, i32) {
    %c0_i32 = arith.constant 0 : i32
    %c0_i32_0 = arith.constant 0 : i32
    return %c0_i32, %arg0 : i32, i32
  }
  func.func @transform_5(%arg0: i32) -> i32 {
    %c0_i32 = arith.constant 0 : i32
    return %arg0 : i32
  }
}

module attributes {stable_mosaic.version = 14 : i64} {
  func.func @_tc_combine(%arg0: memref<32x1024xf32, #tpu.memory_space<vmem>>, %arg1: memref<32x1024xf32, #tpu.memory_space<vmem>>, %arg2: memref<1x1xf32, #tpu.memory_space<vmem>>) attributes {dimension_semantics = [], scalar_prefetch = 0 : i64, scratch_operands = 0 : i64, tpu.core_type = #tpu.core_type<tc>} {
    %get3A = arith.constant 0 : index
    %get3A_0 = arith.constant 0 : index
    %get3A_1 = vector.load %arg0[%get3A, %get3A_0] : memref<32x1024xf32, #tpu.memory_space<vmem>>, vector<32x1024xf32>
    %reduce_sum3A = arith.constant dense<0.000000e+00> : vector<1024xf32>
    %reduce_sum3A_2 = vector.multi_reduction <add>, %get3A_1, %reduce_sum3A [0] : vector<32x1024xf32> to vector<1024xf32>
    %broadcast_in_dim3A = vector.shape_cast %reduce_sum3A_2 : vector<1024xf32> to vector<1x1024xf32>
    %get3A_3 = arith.constant 0 : index
    %get3A_4 = arith.constant 0 : index
    %get3A_5 = vector.load %arg1[%get3A_3, %get3A_4] : memref<32x1024xf32, #tpu.memory_space<vmem>>, vector<32x1024xf32>
    %reduce_sum3A_6 = arith.constant dense<0.000000e+00> : vector<1024xf32>
    %reduce_sum3A_7 = vector.multi_reduction <add>, %get3A_5, %reduce_sum3A_6 [0] : vector<32x1024xf32> to vector<1024xf32>
    %broadcast_in_dim3A_8 = vector.shape_cast %reduce_sum3A_7 : vector<1024xf32> to vector<1x1024xf32>
    %gt3A = arith.constant 0.000000e+00 : f32
    %gt3A_9 = vector.broadcast %gt3A : f32 to vector<1x1024xf32>
    %gt3A_10 = arith.cmpf ogt, %broadcast_in_dim3A_8, %gt3A_9 : vector<1x1024xf32>
    %max3A = arith.constant 1.000000e+00 : f32
    %max3A_11 = vector.broadcast %max3A : f32 to vector<1x1024xf32>
    %max3A_12 = arith.maximumf %broadcast_in_dim3A_8, %max3A_11 : vector<1x1024xf32>
    %div3A = arith.divf %broadcast_in_dim3A, %max3A_12 : vector<1x1024xf32>
    %jit3A = arith.constant 0.000000e+00 : f32
    %broadcast_in_dim3A_13 = vector.broadcast %jit3A : f32 to vector<1x1024xf32>
    %select_n3A = arith.select %gt3A_10, %div3A, %broadcast_in_dim3A_13 : vector<1x1024xi1>, vector<1x1024xf32>
    %reduce_sum3A_14 = arith.constant dense<0.000000e+00> : vector<1xf32>
    %reduce_sum3A_15 = vector.multi_reduction <add>, %select_n3A, %reduce_sum3A_14 [1] : vector<1x1024xf32> to vector<1xf32>
    %broadcast_in_dim3A_16 = vector.shape_cast %reduce_sum3A_15 : vector<1xf32> to vector<1x1xf32>
    %mul3A = arith.constant 9.765625E-4 : f32
    %mul3A_17 = vector.broadcast %mul3A : f32 to vector<1x1xf32>
    %mul3A_18 = arith.mulf %broadcast_in_dim3A_16, %mul3A_17 : vector<1x1xf32>
    %swap3A = arith.constant 0 : index
    %swap3A_19 = arith.constant 0 : index
    %swap3A_20 = vector.load %arg2[%swap3A, %swap3A_19] : memref<1x1xf32, #tpu.memory_space<vmem>>, vector<1x1xf32>
    tpu.vector_store %arg2[%swap3A, %swap3A_19], %mul3A_18 {strides = array<i32>} : memref<1x1xf32, #tpu.memory_space<vmem>>, vector<1x1xf32>,
    return
  }
}

</mosaic_0001>

<sc_bundles>
// kernel: kernel.5.cloned.1.call-start
scs
__scs_entry_jumppad:
0x0: {  	(pc) =	sbr.rel $0x88, $3  }
0x1: {  	(tag) =	ssettag $0x0;
	lr =	simm.s32 $0x1  }
0x2: {  	[smem:$0x3F9C] =	sst lr;
	_ =	strace $0xD0000000  }
0x3: {  	_ = 	snop  }
0x4: {  	_ = 	snop  }
0x5: {  	_ = 	snop  }
0x6: {  	_ = 	snop  }
0x7: {  	_ = 	snop  }
__scs_overlays_trampoline_lowered:
0x8: {  	[smem:$0x3FAB] =	sst s0  }
0x9: {  	[smem:$0x3FAC] =	sst s1  }
0xa: {  	[smem:$0x3FAD] =	sst s2  }
0xb: {  	[smem:$0x3FAE] =	sst s3  }
0xc: {  	[smem:$0x3FAF] =	sst s4  }
0xd: {  	[smem:$0x3FB0] =	sst s5  }
0xe: {  	[smem:$0x3FB1] =	sst s6  }
0xf: {  	[smem:$0x3FB2] =	sst s7  }
0x10: {  	[smem:$0x3FB3] =	sst s8  }
0x11: {  	[smem:$0x3FB4] =	sst s9;
	s0 =	simm.s32 @!p0 $0x0  }
0x12: {  	s1 =	sld [smem:$0x3F9A];
	s0 =	simm.s32 @p0 $0x1  }
0x13: {  	[smem:$0x3FB5] =	sst s0;
	s0 =	simm.s32 @!p1 $0x0  }
0x14: {  	s2 =	sld [smem:$0x3F99];
	s0 =	simm.s32 @p1 $0x1  }
0x15: {  	[smem:$0x3FB6] =	sst s0;
	s0 =	simm.s32 @!p2 $0x0  }
0x16: {  	s3 =	sld [smem:$0x3FDB];
	s0 =	simm.s32 @p2 $0x1  }
0x17: {  	s4 =	simm.s32 $0x1BF5;
	[smem:$0x3FB8] =	sst s0  }
0x18: {  	s0 =	sld [smem:$0x3F9B];
	_ =	swait.ge [sflag:s4], $0x0  }
0x19: {  	s7 =	sld [smem:$0x3F9C]  }
0x1a: {  	s8 =	sadd.s32 $0xFFFFE003, lr  }
0x1b: {  	s9 =	sadd.s32 $0xFFFFFEF7, lr;
	s5 =	simm.s32 $0xFFFFFFFF;
	p2 =	slt.u32 s8, $0xFFFFF086  }
0x1c: {  	p1 =	slt.u32 s9, $0xF7A;
	s5 =	simm.s32 @!p2 $0x0  }
0x1d: {  	s5 =	simm.s32 @p1 $0x1;
	p0 =	seq.s32 s7, s2  }
0x1e: {  	s7 =	smul.u32 @!p0 $0xF7A, s2;
	p2 =	seq.s32 @!p0 s5, $0x0  }
0x1f: {  	s9 =	smul.u32 $0xF7A, s1;
	s8 =	simm.s32 @!p0 $0x1BF5;
	p2 =	por !p2, p0  }
0x20: {  	[sflag:s8] =	ssyncset.s32 @!p0 $0xFFFFF086;
	s6 =	sadd.s32 @!p0 s3, s7;
	s7 =	simm.s32 @!p0 $0x108  }
0x21: {  	s3 =	sadd.s32 s3, s9;
	s6 =	sadd.s32 @!p0 $0x88, s6;
	s7 =	simm.s32 @p2 $0x1082  }
0x22: {  	[simem:s7], [sflag:s8] =	dma.local @!p0 [hbm:s6], $0xF7A  }
0x23: {  	s9 =	sor.u32 $0xD0000000, s2;
	s6 =	simm.s32 $0x108;
	_ =	swait.ge @!p0 [sflag:s8], $0x0  }
0x24: {  	s3 =	sadd.s32 $0x88, s3;
	s6 =	simm.s32 @!p1 $0x1082;
	[sflag:s4] =	ssyncset.s32 $0xFFFFF086  }
0x25: {  	[simem:s6], [sflag:s4] =	dma.local [hbm:s3], $0xF7A  }
0x26: {  	[smem:$0x3F9C] =	sst s1;
	(tag) =	ssettag s2;
	_ =	strace s9  }
0x27: {  	s1 =	sld [smem:$0x3FAC]  }
0x28: {  	s2 =	sld [smem:$0x3FAD]  }
0x29: {  	s4 =	sld [smem:$0x3FAF]  }
0x2a: {  	p0 =	seq.s32 s5, $0x0;
	s5 =	sld [smem:$0x3FB0]  }
0x2b: {  	s6 =	sld [smem:$0x3FB1]  }
0x2c: {  	s7 =	sld [smem:$0x3FB2]  }
0x2d: {  	s3 =	simm.s32 $0x108;
	s8 =	sld [smem:$0x3FB3]  }
0x2e: {  	s3 =	simm.s32 @!p0 $0x1082;
	s9 =	sld [smem:$0x3FB4]  }
0x2f: {  	lr =	sadd.s32 s0, s3;
	s0 =	sld [smem:$0x3FAB]  }
0x30: {  	s3 =	sld [smem:$0x3FAE]  }
0x31: {  	[smem:$0x3FB7] =	sst s10  }
0x32: {  	s10 =	sld [smem:$0x3FB5];
	_ =	sdelay $0x3  }
0x33: {  	p0 =	seq.s32 s10, $0x1;
	s10 =	sld [smem:$0x3FB7];
	_ =	sdelay $0x3  }
0x34: {  	[smem:$0x3FB7] =	sst s10  }
0x35: {  	s10 =	sld [smem:$0x3FB6];
	_ =	sdelay $0x3  }
0x36: {  	p1 =	seq.s32 s10, $0x1;
	s10 =	sld [smem:$0x3FB7];
	_ =	sdelay $0x3  }
0x37: {  	[smem:$0x3FB7] =	sst s10  }
0x38: {  	s10 =	sld [smem:$0x3FB8]  }
0x39: {  	_ = 	snop;
	(pc) =	sbr.ind lr, $3  }
0x3a: {  	_ = 	snop  }
0x3b: {  	_ = 	snop  }
0x3c: {  	p2 =	seq.s32 s10, $0x1;
	s10 =	sld [smem:$0x3FB7]  }
0x3d: {  	_ =	shalt  }
0x3e: {  	_ =	shalt  }
0x3f: {  	_ =	shalt  }
0x40: {  	_ =	shalt  }
0x41: {  	_ =	shalt  }
0x42: {  	_ =	shalt  }
0x43: {  	_ =	shalt  }
0x44: {  	_ =	shalt  }
0x45: {  	_ =	shalt  }
0x46: {  	_ =	shalt  }
0x47: {  	_ =	shalt  }
0x48: {  	_ =	shalt  }
0x49: {  	_ =	shalt  }
0x4a: {  	_ =	shalt  }
0x4b: {  	_ =	shalt  }
0x4c: {  	_ =	shalt  }
0x4d: {  	_ =	shalt  }
0x4e: {  	_ =	shalt  }
0x4f: {  	_ =	shalt  }
0x50: {  	_ =	shalt  }
0x51: {  	_ =	shalt  }
0x52: {  	_ =	shalt  }
0x53: {  	_ =	shalt  }
0x54: {  	_ =	shalt  }
0x55: {  	_ =	shalt  }
0x56: {  	_ =	shalt  }
0x57: {  	_ =	shalt  }
0x58: {  	_ =	shalt  }
0x59: {  	_ =	shalt  }
0x5a: {  	_ =	shalt  }
0x5b: {  	_ =	shalt  }
0x5c: {  	_ =	shalt  }
0x5d: {  	_ =	shalt  }
0x5e: {  	_ =	shalt  }
0x5f: {  	_ =	shalt  }
0x60: {  	_ =	shalt  }
0x61: {  	_ =	shalt  }
0x62: {  	_ =	shalt  }
0x63: {  	_ =	shalt  }
0x64: {  	_ =	shalt  }
0x65: {  	_ =	shalt  }
0x66: {  	_ =	shalt  }
0x67: {  	_ =	shalt  }
0x68: {  	_ =	shalt  }
0x69: {  	_ =	shalt  }
0x6a: {  	_ =	shalt  }
0x6b: {  	_ =	shalt  }
0x6c: {  	_ =	shalt  }
0x6d: {  	_ =	shalt  }
0x6e: {  	_ =	shalt  }
0x6f: {  	_ =	shalt  }
0x70: {  	_ =	shalt  }
0x71: {  	_ =	shalt  }
0x72: {  	_ =	shalt  }
0x73: {  	_ =	shalt  }
0x74: {  	_ =	shalt  }
0x75: {  	_ =	shalt  }
0x76: {  	_ =	shalt  }
0x77: {  	_ =	shalt  }
0x78: {  	_ =	shalt  }
0x79: {  	_ =	shalt  }
0x7a: {  	_ =	shalt  }
0x7b: {  	_ =	shalt  }
0x7c: {  	_ =	shalt  }
0x7d: {  	_ =	shalt  }
0x7e: {  	_ =	shalt  }
0x7f: {  	_ =	shalt  }
0x80: {  	_ =	shalt  }
0x81: {  	_ =	shalt  }
0x82: {  	_ =	shalt  }
0x83: {  	_ =	shalt  }
0x84: {  	_ =	shalt  }
0x85: {  	_ =	shalt  }
0x86: {  	_ =	shalt  }
0x87: {  	_ =	shalt  }
.Lfunc_end0:
.L_simem_size_0:
called_computation_lowered:
.L_overlay_start_0:
0x88: {  	s2 =	sld [smem:$0x3FD9]  }
0x89: {  	s3 =	sld [smem:$0x3FFE];
	_ =	sdelay $0x1  }
0x8a: {  	s1 =	srdreg.scid  }
0x8b: {  	s0 =	sand.u32 $0x1, s1  }
0x8c: {  	s15 =	sshll.u32 s0, $0xA;
	s2 =	sadd.s32 s3, s2  }
0x8d: {  	s2 =	sadd.s32 s2, s15  }
0x8e: {  	[smem:$0x3FC3] =	sst s2  }
0x8f: {  	_ = 	snop  }
0x90: {  	s2 =	sld [smem:$0x3FD0];
	_ =	sdelay $0x2  }
0x91: {  	s16 =	simm.s32 $0xA;
	s4 =	simm.s32 $0x10  }
0x92: {  	[smem:s4], [sflag:s16] =	dma.local [hbm:s2], $0x1  }
0x93: {  	_ =	swait.eq [sflag:s16], $0x1  }
0x94: {  	s17 =	sld [smem:$0x11];
	[sflag:s16] =	ssyncset.done $0x0  }
0x95: {  	s18 =	sld [smem:$0x12];
	[sflag:s16] =	ssyncadd.s32 $0xFFFFFFFF  }
0x96: {  	s19 =	sld [smem:$0x14];
	(tm) =	ssettm $0x1  }
0x97: {  	s5 =	sld [smem:$0x3FFB];
	_ =	sdelay $0x3  }
0x98: {  	_ =	strace s5  }
0x99: {  	s5 =	sld [smem:$0x3FFC];
	_ =	sdelay $0x3  }
0x9a: {  	_ =	strace s5  }
0x9b: {  	s5 =	sld [smem:$0x3FFD];
	_ =	sdelay $0x3  }
0x9c: {  	_ =	strace s5  }
0x9d: {  	_ =	strace $0x8FFFFFFF  }
0x9e: {  	s20 =	sld [smem:$0x3FDB];
	_ =	sdelay $0x1  }
0x9f: {  	s6 =	simm.s32 $_scs_section_size  }
0xa0: {  	s7 =	simm.s32 $_size__tile_overlayer_lowered;
	s8 =	simm.s32 $_tile_overlayer_lowered  }
0xa1: {  	s23 =	simm.s32 $0x1BFF;
	s22 =	sshll.u32 s8, $0x1;
	s5 =	sadd.s32 s6, s20  }
0xa2: {  	s9 =	simm.s32 $0x0;
	s21 =	sshll.u32 s7, $0x1;
	s7 =	sadd.s32 s22, s5  }
0xa3: {  	[timem:s9], [sflag:s23] =	dma.local [hbm:s7], s21  }
0xa4: {  	_ =	swait.ge [sflag:s23], s21  }
0xa5: {  	s6 =	ssub.s32 $0x0, s21;
	[sflag:s23] =	ssyncset.done $0x0  }
0xa6: {  	[sflag:s23] =	ssyncadd.s32 s6;
	_ =	sdelay $0x1  }
0xa7: {  	s24 =	simm.s32 $0x1B8B  }
0xa8: {  	_ =	swait.ge [sflag:s24], $0x1  }
0xa9: {  	[sflag:s24] =	ssyncset.done $0x0  }
0xaa: {  	s25 =	simm.s32 $0x1B8E;
	[sflag:s24] =	ssyncadd.s32 $0xFFFFFFFF  }
0xab: {  	s26 =	simm.s32 $execute0_lowered;
	[smem:$0x3FD2] =	sst s25  }
0xac: {  	s6 =	sshll.u32 s26, $0x1;
	_ =	strace $0x80000046;
	[dreg:$0x1] =	wrdreg $0xFFFFFFFF  }
0xad: {  	s28 =	simm.s32 $_size_execute0_lowered;
	s5 =	sadd.s32 s5, s6;
	[dreg:$0x0] =	wrdreg $0x0  }
0xae: {  	s6 =	sshll.u32 s28, $0x1;
	[dreg:$0x2] =	wrdreg s5  }
0xaf: {  	[dreg:$0x3] =	wrdreg s6  }
0xb0: {  	[dreg:$0x4] =	wrdreg $0xC0  }
0xb1: {  	_ =	task [dreg:s9], $0x5FFFF  }
0xb2: {  	[dreg:$0x1] =	wrdreg $0xFFFFFFFF  }
0xb3: {  	[dreg:$0x0] =	wrdreg $0x60  }
0xb4: {  	[dreg:$0x2] =	wrdreg s18  }
0xb5: {  	[dreg:$0x3] =	wrdreg s19  }
0xb6: {  	[dreg:$0x4] =	wrdreg s17  }
0xb7: {  	[dreg:$0x5] =	wrdreg $0x9  }
0xb8: {  	_ =	task.clear_ibuf [dreg:s9], $0x6FFFF;
	_ =	strace $0x90000046  }
0xb9: {  	s29 =	simm.s32 $0x9;
	_ =	strace $0x80000048  }
0xba: {  	_ =	swait.ge [sflag:s29], $0x1  }
0xbb: {  	[sflag:s29] =	ssyncadd.s32 $0xFFFFFFFF  }
0xbc: {  	_ =	strace $0x90000048  }
0xbd: {  	_ =	sfence  }
0xbe: {  	s30 =	sld [smem:$0x0];
	_ =	sdelay $0x2  }
0xbf: {  	s31 =	sshll.u32 s1, $0xD;
	s1 =	sshrl.u32 s1, $0x2  }
0xc0: {  	s3 =	sand.u32 $0x4000, s31;
	s1 =	sadd.s32 s1, s30  }
0xc1: {  	s0 =	sor.u32 s3, s0;
	s1 =	sshll.u32 s1, $0x11  }
0xc2: {  	s0 =	sor.u32 s1, s0  }
0xc3: {  	s0 =	sadd.s32 $0x8F2B, s0  }
0xc4: {  	[sflag:s0] =	ssyncadd.remote.s32 $0x1  }
0xc5: {  	_ =	sfence.sel $0xFFFF  }
0xc6: {  	[dreg:$0x0] =	wrdreg $0xFFFFFFFF;
	(pc) =	sbr.abs _section_cstart, $3  }
0xc7: {  	[dreg:$0x1] =	wrdreg $0xFFFFFFFF  }
0xc8: {  	_ =	task.clear_ibuf [dreg:s9], $0x2FFFF;
	_ =	strace $0x9FFFFFFF  }
0xc9: {  	(tm) =	ssettm $0x7FFFFFFF  }
tec
execute0_lowered:
.L_overlay_start_1:
0x0: {  	(tag) =	ssettag $0x1  }
0x1: {  	s10 =	rddreg [dreg:$0x0]  }
0x2: {  	s7 =	rddreg [dreg:$0x1]  }
0x3: {  	s8 =	rddreg [dreg:$0x2]  }
0x4: {  	s2 =	srdreg.scid;
	s1 =	stileid.u32  }
0x5: {  	s0 =	rddreg [dreg:$0x3];
	s15 =	simm.s32 $0x2;
	s16 =	simm.s32 $0x8000  }
0x6: {  	s17 =	simm.s32 $0x3;
	s18 =	simm.s32 $0x80;
	s19 =	simm.s32 $0x400  }
0x7: {  	s20 =	simm.s32 $0x10380;
	s21 =	simm.s32 $0x10780;
	s4 =	sand.u32 $0x1, s2  }
0x8: {  	s3 =	sshll.u32 s1, $0x1;
	s2 =	simm.s32 $0x0;
	p0 =	slt.u32 s1, $0xA  }
0x9: {  	s12 =	smul.u32 $0x30C, s1;
	s13 =	sshll.u32 s1, $0x8;
	s5 =	ssub.s32 $0x2, s4  }
0xa: {  	s6 =	sor.u32 s4, s3;
	[smem:$0x7FF] =	sst s2;
	s14 =	smul.u32 $0x186, s4  }
0xb: {  	s3 =	simm.s32 $0x7;
	s26 =	sshrl.u32 s5, $0x1;
	s9 =	smul.u32 $0x186, s6  }
0xc: {  	_ =	strace $0x80000047;
	s28 =	smin.u32 s6, $0x14;
	s6 =	sshll.u32 s6, $0x4  }
0xd: {  	s3 =	simm.s32 @!p0 $0x6;
	s11 =	ssub.s32 s5, s26;
	s6 =	sor.u32 s13, s6  }
0xe: {  	s29 =	sadd.s32 s12, s28;
	s12 =	simm.s32 $0x1;
	s9 =	sadd.s32 s28, s9  }
0xf: {  	s13 =	simm.s32 $0x8080;
	s30 =	sand.u32 $0xC70, s6;
	s9 =	sshll.u32 s9, $0x4  }
0x10: {  	s7 =	sadd.s32 s7, s30;
	s4 =	sadd.s32 s10, s9;
	s9 =	sadd.s32 s14, s29  }
0x11: {  	s8 =	sadd.s32 s8, s30;
	s14 =	simm.s32 $0xC200;
	s31 =	sshll.u32 s9, $0x4  }
0x12: {  	v1 =	vlaneseq.u32;
	s5 =	sadd.s32 $0x800, s4;
	s6 =	sadd.s32 $0x1000, s4;
	s10 =	sadd.s32 s31, s10  }
0x13: {  	v0 =	vimm.f32 $0.0e+00;
	v1 =	vmul.u32 $0x411, v1;
	s9 =	smax.u32 s11, $0x1;
	s11 =	simm.s32 $0x4000;
	s10 =	sadd.s32 $0x1800, s10  }
.LBB2_1:
0x14: {  	s22 =	simm.s32 $0x0;
	s23 =	simm.s32 $0x200  }
.LBB2_2:
0x15: {  	p0 =	sne.s32 s23, $0x10400;
	[tilespmem:s22+$0xC270] =	vst v0  }
0x16: {  	[tilespmem:s22+$0x8080] =	vst v0  }
0x17: {  	[tilespmem:s22+$0xC200] =	vst v0  }
0x18: {  	[tilespmem:s22+$0x8090] =	vst v0  }
0x19: {  	[tilespmem:s22+$0xC210] =	vst v0  }
0x1a: {  	[tilespmem:s22+$0x80A0] =	vst v0  }
0x1b: {  	[tilespmem:s22+$0xC220] =	vst v0  }
0x1c: {  	[tilespmem:s22+$0x80B0] =	vst v0  }
0x1d: {  	[tilespmem:s22+$0xC230] =	vst v0  }
0x1e: {  	[tilespmem:s22+$0x80C0] =	vst v0  }
0x1f: {  	[tilespmem:s22+$0xC240] =	vst v0  }
.Ltmp0:
0x20: {  	[tilespmem:s22+$0x80D0] =	vst v0;
	(pc) =	sbr.rel @p0 .LBB2_2-.Ltmp0, $4  }
0x21: {  	[tilespmem:s22+$0xC250] =	vst v0  }
0x22: {  	[tilespmem:s22+$0x80E0] =	vst v0  }
0x23: {  	[tilespmem:s22+$0xC260] =	vst v0  }
0x24: {  	[tilespmem:s22+$0x80F0] =	vst v0;
	s22 =	sshra.s32 s23, $0x2;
	s23 =	sadd.s32 $0x200, s23  }
0x25: {  	[tilespmem:s22+$0xC270] =	vst v0  }
0x26: {  	[tilespmem:s22+$0x8080] =	vst v0  }
0x27: {  	[tilespmem:s22+$0xC200] =	vst v0  }
0x28: {  	[tilespmem:s22+$0x8090] =	vst v0  }
0x29: {  	[tilespmem:s22+$0xC210] =	vst v0  }
0x2a: {  	[tilespmem:s22+$0x80A0] =	vst v0  }
0x2b: {  	[tilespmem:s22+$0xC220] =	vst v0  }
0x2c: {  	[tilespmem:s22+$0x80B0] =	vst v0  }
0x2d: {  	[tilespmem:s22+$0xC230] =	vst v0  }
0x2e: {  	[tilespmem:s22+$0x80C0] =	vst v0  }
0x2f: {  	[tilespmem:s22+$0xC240] =	vst v0  }
0x30: {  	[tilespmem:s22+$0x80D0] =	vst v0  }
0x31: {  	[tilespmem:s22+$0xC250] =	vst v0  }
0x32: {  	[tilespmem:s22+$0x80E0] =	vst v0  }
0x33: {  	[tilespmem:s22+$0xC260] =	vst v0  }
0x34: {  	[tilespmem:s22+$0x80F0] =	vst v0;
	s22 =	simm.s32 $0x0  }
0x35: {  	[tilespmem:s22], [sflag:$0x1] =	stream.linear.gather [hbm4b:s4+s22], $0x4000, $0x38;
	[tilespmem:$0x10B80] =	vst v63  }
0x36: {  	_ = 	snop  }
0x37: {  	[tilespmem:s11], [sflag:$0x2] =	stream.linear.gather [hbm4b:s5+s22], $0x4000, $0x38;
	[tilespmem:$0x10B80] =	vst v63  }
0x38: {  	_ =	swait.ge [sflag:s12], $0x4000  }
0x39: {  	[sflag:s12] =	ssyncset.done $0x0  }
0x3a: {  	[sflag:s12] =	ssyncadd.s32 $0xFFFFC000  }
.LBB2_4:
0x3b: {  	s23 =	sshra.s32 s22, $0x2  }
0x3c: {  	v2 =	vld [tilespmem:s23+$0x0];
	_ =	sdelay $0x4  }
0x3d: {  	v3 =	vshrl.u32 v2, $0x10  }
0x3e: {  	v3 =	vadd.s32 v1, v3;
	_ =	sdelay $0x1  }
0x3f: {  	v2 =	vshll.u32 v2, $0x10  }
0x40: {  	vm0 =	vlt.f32 v2, $0.0e+00;
	vm1 =	vgt.f32 v2, $0.0e+00  }
0x41: {  	vm0 =	vmor vm1, vm0  }
0x42: {  	v4 =	vsel vm0, $0x3F800000, v0;
	[tilespmem:v3+s13+$0x0] =	vst.idx.add.f32.msk $0xffff, v2  }
0x43: {  	[tilespmem:v3+s14+$0x0] =	vst.idx.add.f32.msk $0xffff, v4  }
0x44: {  	v2 =	vld [tilespmem:s23+$0x10];
	_ =	sdelay $0x4  }
0x45: {  	v3 =	vshrl.u32 v2, $0x10  }
0x46: {  	v3 =	vadd.s32 v1, v3;
	_ =	sdelay $0x1  }
0x47: {  	v2 =	vshll.u32 v2, $0x10  }
0x48: {  	vm14 =	vlt.f32 v2, $0.0e+00;
	vm15 =	vgt.f32 v2, $0.0e+00  }
0x49: {  	vm0 =	vmor vm15, vm14  }
0x4a: {  	v57 =	vsel vm0, $0x3F800000, v0;
	[tilespmem:v3+s13+$0x0] =	vst.idx.add.f32.msk $0xffff, v2  }
0x4b: {  	[tilespmem:v3+s14+$0x0] =	vst.idx.add.f32.msk $0xffff, v57  }
0x4c: {  	v2 =	vld [tilespmem:s23+$0x20];
	_ =	sdelay $0x4  }
0x4d: {  	v3 =	vshrl.u32 v2, $0x10  }
0x4e: {  	v3 =	vadd.s32 v1, v3;
	_ =	sdelay $0x1  }
0x4f: {  	v2 =	vshll.u32 v2, $0x10  }
0x50: {  	vm4 =	vlt.f32 v2, $0.0e+00;
	vm5 =	vgt.f32 v2, $0.0e+00  }
0x51: {  	vm0 =	vmor vm5, vm4  }
0x52: {  	v58 =	vsel vm0, $0x3F800000, v0;
	[tilespmem:v3+s13+$0x0] =	vst.idx.add.f32.msk $0xffff, v2  }
0x53: {  	[tilespmem:v3+s14+$0x0] =	vst.idx.add.f32.msk $0xffff, v58  }
0x54: {  	v2 =	vld [tilespmem:s23+$0x30];
	_ =	sdelay $0x4  }
0x55: {  	v3 =	vshrl.u32 v2, $0x10  }
0x56: {  	v3 =	vadd.s32 v1, v3;
	_ =	sdelay $0x1  }
0x57: {  	v2 =	vshll.u32 v2, $0x10  }
0x58: {  	vm6 =	vlt.f32 v2, $0.0e+00;
	vm7 =	vgt.f32 v2, $0.0e+00  }
0x59: {  	vm0 =	vmor vm7, vm6  }
0x5a: {  	v59 =	vsel vm0, $0x3F800000, v0;
	[tilespmem:v3+s13+$0x0] =	vst.idx.add.f32.msk $0xffff, v2  }
0x5b: {  	[tilespmem:v3+s14+$0x0] =	vst.idx.add.f32.msk $0xffff, v59  }
0x5c: {  	v2 =	vld [tilespmem:s23+$0x40];
	_ =	sdelay $0x4  }
0x5d: {  	v3 =	vshrl.u32 v2, $0x10  }
0x5e: {  	v3 =	vadd.s32 v1, v3;
	_ =	sdelay $0x1  }
0x5f: {  	v2 =	vshll.u32 v2, $0x10  }
0x60: {  	vm8 =	vlt.f32 v2, $0.0e+00;
	vm9 =	vgt.f32 v2, $0.0e+00  }
0x61: {  	vm0 =	vmor vm9, vm8  }
0x62: {  	v60 =	vsel vm0, $0x3F800000, v0;
	[tilespmem:v3+s13+$0x0] =	vst.idx.add.f32.msk $0xffff, v2  }
0x63: {  	[tilespmem:v3+s14+$0x0] =	vst.idx.add.f32.msk $0xffff, v60  }
0x64: {  	v2 =	vld [tilespmem:s23+$0x50];
	_ =	sdelay $0x4  }
0x65: {  	v3 =	vshrl.u32 v2, $0x10  }
0x66: {  	v3 =	vadd.s32 v1, v3;
	_ =	sdelay $0x1  }
0x67: {  	v2 =	vshll.u32 v2, $0x10  }
0x68: {  	vm10 =	vlt.f32 v2, $0.0e+00;
	vm11 =	vgt.f32 v2, $0.0e+00  }
0x69: {  	vm0 =	vmor vm11, vm10  }
0x6a: {  	v61 =	vsel vm0, $0x3F800000, v0;
	[tilespmem:v3+s13+$0x0] =	vst.idx.add.f32.msk $0xffff, v2  }
0x6b: {  	[tilespmem:v3+s14+$0x0] =	vst.idx.add.f32.msk $0xffff, v61  }
0x6c: {  	v2 =	vld [tilespmem:s23+$0x60];
	_ =	sdelay $0x4  }
0x6d: {  	v3 =	vshrl.u32 v2, $0x10  }
0x6e: {  	v3 =	vadd.s32 v1, v3;
	_ =	sdelay $0x1  }
0x6f: {  	v2 =	vshll.u32 v2, $0x10  }
0x70: {  	vm12 =	vlt.f32 v2, $0.0e+00;
	vm13 =	vgt.f32 v2, $0.0e+00  }
0x71: {  	vm0 =	vmor vm13, vm12  }
0x72: {  	v62 =	vsel vm0, $0x3F800000, v0;
	[tilespmem:v3+s13+$0x0] =	vst.idx.add.f32.msk $0xffff, v2  }
0x73: {  	[tilespmem:v3+s14+$0x0] =	vst.idx.add.f32.msk $0xffff, v62  }
0x74: {  	v2 =	vld [tilespmem:s23+$0x70];
	_ =	sdelay $0x4  }
0x75: {  	v3 =	vshrl.u32 v2, $0x10  }
0x76: {  	v3 =	vadd.s32 v1, v3  }
0x77: {  	p0 =	sne.s32 s22, $0xFE00  }
.Ltmp1:
0x78: {  	v2 =	vshll.u32 v2, $0x10;
	(pc) =	sbr.rel @p0 .LBB2_4-.Ltmp1, $4  }
0x79: {  	vm14 =	vlt.f32 v2, $0.0e+00;
	vm15 =	vgt.f32 v2, $0.0e+00  }
0x7a: {  	vm0 =	vmor vm15, vm14  }
0x7b: {  	v63 =	vsel vm0, $0x3F800000, v0;
	[tilespmem:v3+s13+$0x0] =	vst.idx.add.f32.msk $0xffff, v2  }
0x7c: {  	s22 =	sadd.s32 $0x200, s22;
	[tilespmem:v3+s14+$0x0] =	vst.idx.add.f32.msk $0xffff, v63  }
0x7d: {  	s22 =	simm.s32 $0x0  }
0x7e: {  	[tilespmem:s22], [sflag:$0x1] =	stream.linear.gather [hbm4b:s6+s22], $0x4000, $0x38;
	[tilespmem:$0x10B80] =	vst v63  }
0x7f: {  	_ =	swait.ge [sflag:s15], $0x4000  }
0x80: {  	[sflag:s15] =	ssyncset.done $0x0  }
0x81: {  	[sflag:s15] =	ssyncadd.s32 $0xFFFFC000  }
.LBB2_6:
0x82: {  	s23 =	sshra.s32 s22, $0x2  }
0x83: {  	v2 =	vld [tilespmem:s23+$0x4000];
	_ =	sdelay $0x4  }
0x84: {  	v3 =	vshrl.u32 v2, $0x10  }
0x85: {  	v3 =	vadd.s32 v1, v3;
	_ =	sdelay $0x1  }
0x86: {  	v2 =	vshll.u32 v2, $0x10  }
0x87: {  	vm0 =	vlt.f32 v2, $0.0e+00;
	vm1 =	vgt.f32 v2, $0.0e+00  }
0x88: {  	vm0 =	vmor vm1, vm0  }
0x89: {  	v4 =	vsel vm0, $0x3F800000, v0;
	[tilespmem:v3+s13+$0x0] =	vst.idx.add.f32.msk $0xffff, v2  }
0x8a: {  	[tilespmem:v3+s14+$0x0] =	vst.idx.add.f32.msk $0xffff, v4  }
0x8b: {  	v2 =	vld [tilespmem:s23+$0x4010];
	_ =	sdelay $0x4  }
0x8c: {  	v3 =	vshrl.u32 v2, $0x10  }
0x8d: {  	v3 =	vadd.s32 v1, v3;
	_ =	sdelay $0x1  }
0x8e: {  	v2 =	vshll.u32 v2, $0x10  }
0x8f: {  	vm14 =	vlt.f32 v2, $0.0e+00;
	vm15 =	vgt.f32 v2, $0.0e+00  }
0x90: {  	vm0 =	vmor vm15, vm14  }
0x91: {  	v57 =	vsel vm0, $0x3F800000, v0;
	[tilespmem:v3+s13+$0x0] =	vst.idx.add.f32.msk $0xffff, v2  }
0x92: {  	[tilespmem:v3+s14+$0x0] =	vst.idx.add.f32.msk $0xffff, v57  }
0x93: {  	v2 =	vld [tilespmem:s23+$0x4020];
	_ =	sdelay $0x4  }
0x94: {  	v3 =	vshrl.u32 v2, $0x10  }
0x95: {  	v3 =	vadd.s32 v1, v3;
	_ =	sdelay $0x1  }
0x96: {  	v2 =	vshll.u32 v2, $0x10  }
0x97: {  	vm4 =	vlt.f32 v2, $0.0e+00;
	vm5 =	vgt.f32 v2, $0.0e+00  }
0x98: {  	vm0 =	vmor vm5, vm4  }
0x99: {  	v58 =	vsel vm0, $0x3F800000, v0;
	[tilespmem:v3+s13+$0x0] =	vst.idx.add.f32.msk $0xffff, v2  }
0x9a: {  	[tilespmem:v3+s14+$0x0] =	vst.idx.add.f32.msk $0xffff, v58  }
0x9b: {  	v2 =	vld [tilespmem:s23+$0x4030];
	_ =	sdelay $0x4  }
0x9c: {  	v3 =	vshrl.u32 v2, $0x10  }
0x9d: {  	v3 =	vadd.s32 v1, v3;
	_ =	sdelay $0x1  }
0x9e: {  	v2 =	vshll.u32 v2, $0x10  }
0x9f: {  	vm6 =	vlt.f32 v2, $0.0e+00;
	vm7 =	vgt.f32 v2, $0.0e+00  }
0xa0: {  	vm0 =	vmor vm7, vm6  }
0xa1: {  	v59 =	vsel vm0, $0x3F800000, v0;
	[tilespmem:v3+s13+$0x0] =	vst.idx.add.f32.msk $0xffff, v2  }
0xa2: {  	[tilespmem:v3+s14+$0x0] =	vst.idx.add.f32.msk $0xffff, v59  }
0xa3: {  	v2 =	vld [tilespmem:s23+$0x4040];
	_ =	sdelay $0x4  }
0xa4: {  	v3 =	vshrl.u32 v2, $0x10  }
0xa5: {  	v3 =	vadd.s32 v1, v3;
	_ =	sdelay $0x1  }
0xa6: {  	v2 =	vshll.u32 v2, $0x10  }
0xa7: {  	vm8 =	vlt.f32 v2, $0.0e+00;
	vm9 =	vgt.f32 v2, $0.0e+00  }
0xa8: {  	vm0 =	vmor vm9, vm8  }
0xa9: {  	v60 =	vsel vm0, $0x3F800000, v0;
	[tilespmem:v3+s13+$0x0] =	vst.idx.add.f32.msk $0xffff, v2  }
0xaa: {  	[tilespmem:v3+s14+$0x0] =	vst.idx.add.f32.msk $0xffff, v60  }
0xab: {  	v2 =	vld [tilespmem:s23+$0x4050];
	_ =	sdelay $0x4  }
0xac: {  	v3 =	vshrl.u32 v2, $0x10  }
0xad: {  	v3 =	vadd.s32 v1, v3;
	_ =	sdelay $0x1  }
0xae: {  	v2 =	vshll.u32 v2, $0x10  }
0xaf: {  	vm10 =	vlt.f32 v2, $0.0e+00;
	vm11 =	vgt.f32 v2, $0.0e+00  }
0xb0: {  	vm0 =	vmor vm11, vm10  }
0xb1: {  	v61 =	vsel vm0, $0x3F800000, v0;
	[tilespmem:v3+s13+$0x0] =	vst.idx.add.f32.msk $0xffff, v2  }
0xb2: {  	[tilespmem:v3+s14+$0x0] =	vst.idx.add.f32.msk $0xffff, v61  }
0xb3: {  	v2 =	vld [tilespmem:s23+$0x4060];
	_ =	sdelay $0x4  }
0xb4: {  	v3 =	vshrl.u32 v2, $0x10  }
0xb5: {  	v3 =	vadd.s32 v1, v3;
	_ =	sdelay $0x1  }
0xb6: {  	v2 =	vshll.u32 v2, $0x10  }
0xb7: {  	vm12 =	vlt.f32 v2, $0.0e+00;
	vm13 =	vgt.f32 v2, $0.0e+00  }
0xb8: {  	vm0 =	vmor vm13, vm12  }
0xb9: {  	v62 =	vsel vm0, $0x3F800000, v0;
	[tilespmem:v3+s13+$0x0] =	vst.idx.add.f32.msk $0xffff, v2  }
0xba: {  	[tilespmem:v3+s14+$0x0] =	vst.idx.add.f32.msk $0xffff, v62  }
0xbb: {  	v2 =	vld [tilespmem:s23+$0x4070];
	_ =	sdelay $0x4  }
0xbc: {  	v3 =	vshrl.u32 v2, $0x10  }
0xbd: {  	v3 =	vadd.s32 v1, v3  }
0xbe: {  	p0 =	sne.s32 s22, $0xFE00  }
.Ltmp2:
0xbf: {  	v2 =	vshll.u32 v2, $0x10;
	(pc) =	sbr.rel @p0 .LBB2_6-.Ltmp2, $4  }
0xc0: {  	vm14 =	vlt.f32 v2, $0.0e+00;
	vm15 =	vgt.f32 v2, $0.0e+00  }
0xc1: {  	vm0 =	vmor vm15, vm14  }
0xc2: {  	v63 =	vsel vm0, $0x3F800000, v0;
	[tilespmem:v3+s13+$0x0] =	vst.idx.add.f32.msk $0xffff, v2  }
0xc3: {  	s22 =	sadd.s32 $0x200, s22;
	[tilespmem:v3+s14+$0x0] =	vst.idx.add.f32.msk $0xffff, v63  }
0xc4: {  	_ =	swait.ge [sflag:s12], $0x4000  }
0xc5: {  	[sflag:s12] =	ssyncset.done $0x0  }
0xc6: {  	s22 =	simm.s32 $0x0;
	[sflag:s12] =	ssyncadd.s32 $0xFFFFC000  }
.LBB2_8:
0xc7: {  	s23 =	sshra.s32 s22, $0x2  }
0xc8: {  	v2 =	vld [tilespmem:s23+$0x0];
	_ =	sdelay $0x4  }
0xc9: {  	v3 =	vshrl.u32 v2, $0x10  }
0xca: {  	v3 =	vadd.s32 v1, v3;
	_ =	sdelay $0x1  }
0xcb: {  	v2 =	vshll.u32 v2, $0x10  }
0xcc: {  	vm0 =	vlt.f32 v2, $0.0e+00;
	vm1 =	vgt.f32 v2, $0.0e+00  }
0xcd: {  	vm0 =	vmor vm1, vm0  }
0xce: {  	v4 =	vsel vm0, $0x3F800000, v0;
	[tilespmem:v3+s13+$0x0] =	vst.idx.add.f32.msk $0xffff, v2  }
0xcf: {  	[tilespmem:v3+s14+$0x0] =	vst.idx.add.f32.msk $0xffff, v4  }
0xd0: {  	v2 =	vld [tilespmem:s23+$0x10];
	_ =	sdelay $0x4  }
0xd1: {  	v3 =	vshrl.u32 v2, $0x10  }
0xd2: {  	v3 =	vadd.s32 v1, v3;
	_ =	sdelay $0x1  }
0xd3: {  	v2 =	vshll.u32 v2, $0x10  }
0xd4: {  	vm14 =	vlt.f32 v2, $0.0e+00;
	vm15 =	vgt.f32 v2, $0.0e+00  }
0xd5: {  	vm0 =	vmor vm15, vm14  }
0xd6: {  	v57 =	vsel vm0, $0x3F800000, v0;
	[tilespmem:v3+s13+$0x0] =	vst.idx.add.f32.msk $0xffff, v2  }
0xd7: {  	[tilespmem:v3+s14+$0x0] =	vst.idx.add.f32.msk $0xffff, v57  }
0xd8: {  	v2 =	vld [tilespmem:s23+$0x20];
	_ =	sdelay $0x4  }
0xd9: {  	v3 =	vshrl.u32 v2, $0x10  }
0xda: {  	v3 =	vadd.s32 v1, v3;
	_ =	sdelay $0x1  }
0xdb: {  	v2 =	vshll.u32 v2, $0x10  }
0xdc: {  	vm4 =	vlt.f32 v2, $0.0e+00;
	vm5 =	vgt.f32 v2, $0.0e+00  }
0xdd: {  	vm0 =	vmor vm5, vm4  }
0xde: {  	v58 =	vsel vm0, $0x3F800000, v0;
	[tilespmem:v3+s13+$0x0] =	vst.idx.add.f32.msk $0xffff, v2  }
0xdf: {  	[tilespmem:v3+s14+$0x0] =	vst.idx.add.f32.msk $0xffff, v58  }
0xe0: {  	v2 =	vld [tilespmem:s23+$0x30];
	_ =	sdelay $0x4  }
0xe1: {  	v3 =	vshrl.u32 v2, $0x10  }
0xe2: {  	v3 =	vadd.s32 v1, v3;
	_ =	sdelay $0x1  }
0xe3: {  	v2 =	vshll.u32 v2, $0x10  }
0xe4: {  	vm6 =	vlt.f32 v2, $0.0e+00;
	vm7 =	vgt.f32 v2, $0.0e+00  }
0xe5: {  	vm0 =	vmor vm7, vm6  }
0xe6: {  	v59 =	vsel vm0, $0x3F800000, v0;
	[tilespmem:v3+s13+$0x0] =	vst.idx.add.f32.msk $0xffff, v2  }
0xe7: {  	[tilespmem:v3+s14+$0x0] =	vst.idx.add.f32.msk $0xffff, v59  }
0xe8: {  	v2 =	vld [tilespmem:s23+$0x40];
	_ =	sdelay $0x4  }
0xe9: {  	v3 =	vshrl.u32 v2, $0x10  }
0xea: {  	v3 =	vadd.s32 v1, v3;
	_ =	sdelay $0x1  }
0xeb: {  	v2 =	vshll.u32 v2, $0x10  }
0xec: {  	vm8 =	vlt.f32 v2, $0.0e+00;
	vm9 =	vgt.f32 v2, $0.0e+00  }
0xed: {  	vm0 =	vmor vm9, vm8  }
0xee: {  	v60 =	vsel vm0, $0x3F800000, v0;
	[tilespmem:v3+s13+$0x0] =	vst.idx.add.f32.msk $0xffff, v2  }
0xef: {  	[tilespmem:v3+s14+$0x0] =	vst.idx.add.f32.msk $0xffff, v60  }
0xf0: {  	v2 =	vld [tilespmem:s23+$0x50];
	_ =	sdelay $0x4  }
0xf1: {  	v3 =	vshrl.u32 v2, $0x10  }
0xf2: {  	v3 =	vadd.s32 v1, v3;
	_ =	sdelay $0x1  }
0xf3: {  	v2 =	vshll.u32 v2, $0x10  }
0xf4: {  	vm10 =	vlt.f32 v2, $0.0e+00;
	vm11 =	vgt.f32 v2, $0.0e+00  }
0xf5: {  	vm0 =	vmor vm11, vm10  }
0xf6: {  	v61 =	vsel vm0, $0x3F800000, v0;
	[tilespmem:v3+s13+$0x0] =	vst.idx.add.f32.msk $0xffff, v2  }
0xf7: {  	[tilespmem:v3+s14+$0x0] =	vst.idx.add.f32.msk $0xffff, v61  }
0xf8: {  	v2 =	vld [tilespmem:s23+$0x60];
	_ =	sdelay $0x4  }
0xf9: {  	v3 =	vshrl.u32 v2, $0x10  }
0xfa: {  	v3 =	vadd.s32 v1, v3;
	_ =	sdelay $0x1  }
0xfb: {  	v2 =	vshll.u32 v2, $0x10  }
0xfc: {  	vm12 =	vlt.f32 v2, $0.0e+00;
	vm13 =	vgt.f32 v2, $0.0e+00  }
0xfd: {  	vm0 =	vmor vm13, vm12  }
0xfe: {  	v62 =	vsel vm0, $0x3F800000, v0;
	[tilespmem:v3+s13+$0x0] =	vst.idx.add.f32.msk $0xffff, v2  }
0xff: {  	[tilespmem:v3+s14+$0x0] =	vst.idx.add.f32.msk $0xffff, v62  }
0x100: {  	v2 =	vld [tilespmem:s23+$0x70];
	_ =	sdelay $0x4  }
0x101: {  	v3 =	vshrl.u32 v2, $0x10  }
0x102: {  	v3 =	vadd.s32 v1, v3  }
0x103: {  	p0 =	seq.s32 s22, $0xFE00  }
.Ltmp3:
0x104: {  	v2 =	vshll.u32 v2, $0x10;
	(pc) =	sbr.rel @!p0 .LBB2_8-.Ltmp3, $4  }
0x105: {  	vm14 =	vlt.f32 v2, $0.0e+00;
	vm15 =	vgt.f32 v2, $0.0e+00  }
0x106: {  	vm0 =	vmor vm15, vm14  }
0x107: {  	v63 =	vsel vm0, $0x3F800000, v0;
	[tilespmem:v3+s13+$0x0] =	vst.idx.add.f32.msk $0xffff, v2  }
0x108: {  	s22 =	sadd.s32 $0x200, s22;
	[tilespmem:v3+s14+$0x0] =	vst.idx.add.f32.msk $0xffff, v63  }
0x109: {  	s22 =	smov.u32 s3;
	s23 =	smov.u32 s10  }
.LBB2_10:
0x10a: {  	s24 =	simm.s32 $0x0  }
0x10b: {  	[tilespmem:s16], [sflag:$0x3] =	stream.linear.gather [hbm4b:s23+s24], $0x80, $0x38;
	[tilespmem:$0x10B80] =	vst v63  }
0x10c: {  	_ =	swait.ge [sflag:s17], $0x80  }
0x10d: {  	[sflag:s17] =	ssyncset.done $0x0  }
0x10e: {  	[sflag:s17] =	ssyncadd.s32 $0xFFFFFF80  }
0x10f: {  	v2 =	vld [tilespmem:$0x8000];
	_ =	sdelay $0x4  }
0x110: {  	v3 =	vshrl.u32 v2, $0x10  }
0x111: {  	v3 =	vadd.s32 v1, v3;
	_ =	sdelay $0x1  }
0x112: {  	v2 =	vshll.u32 v2, $0x10  }
0x113: {  	vm0 =	vlt.f32 v2, $0.0e+00;
	vm1 =	vgt.f32 v2, $0.0e+00  }
0x114: {  	vm0 =	vmor vm1, vm0  }
0x115: {  	v4 =	vsel vm0, $0x3F800000, v0;
	[tilespmem:v3+s13+$0x0] =	vst.idx.add.f32.msk $0xffff, v2  }
0x116: {  	[tilespmem:v3+s14+$0x0] =	vst.idx.add.f32.msk $0xffff, v4  }
0x117: {  	v2 =	vld [tilespmem:$0x8010];
	_ =	sdelay $0x4  }
0x118: {  	v3 =	vshrl.u32 v2, $0x10  }
0x119: {  	v3 =	vadd.s32 v1, v3;
	_ =	sdelay $0x1  }
0x11a: {  	v2 =	vshll.u32 v2, $0x10  }
0x11b: {  	vm14 =	vlt.f32 v2, $0.0e+00;
	vm15 =	vgt.f32 v2, $0.0e+00  }
0x11c: {  	vm0 =	vmor vm15, vm14  }
0x11d: {  	v57 =	vsel vm0, $0x3F800000, v0;
	[tilespmem:v3+s13+$0x0] =	vst.idx.add.f32.msk $0xffff, v2  }
0x11e: {  	[tilespmem:v3+s14+$0x0] =	vst.idx.add.f32.msk $0xffff, v57  }
0x11f: {  	v2 =	vld [tilespmem:$0x8020];
	_ =	sdelay $0x4  }
0x120: {  	v3 =	vshrl.u32 v2, $0x10  }
0x121: {  	v3 =	vadd.s32 v1, v3;
	_ =	sdelay $0x1  }
0x122: {  	v2 =	vshll.u32 v2, $0x10  }
0x123: {  	vm4 =	vlt.f32 v2, $0.0e+00;
	vm5 =	vgt.f32 v2, $0.0e+00  }
0x124: {  	vm0 =	vmor vm5, vm4  }
0x125: {  	v58 =	vsel vm0, $0x3F800000, v0;
	[tilespmem:v3+s13+$0x0] =	vst.idx.add.f32.msk $0xffff, v2  }
0x126: {  	[tilespmem:v3+s14+$0x0] =	vst.idx.add.f32.msk $0xffff, v58  }
0x127: {  	v2 =	vld [tilespmem:$0x8030];
	_ =	sdelay $0x4  }
0x128: {  	v3 =	vshrl.u32 v2, $0x10  }
0x129: {  	v3 =	vadd.s32 v1, v3;
	_ =	sdelay $0x1  }
0x12a: {  	v2 =	vshll.u32 v2, $0x10  }
0x12b: {  	vm6 =	vlt.f32 v2, $0.0e+00;
	vm7 =	vgt.f32 v2, $0.0e+00  }
0x12c: {  	vm0 =	vmor vm7, vm6  }
0x12d: {  	v59 =	vsel vm0, $0x3F800000, v0;
	[tilespmem:v3+s13+$0x0] =	vst.idx.add.f32.msk $0xffff, v2  }
0x12e: {  	[tilespmem:v3+s14+$0x0] =	vst.idx.add.f32.msk $0xffff, v59  }
0x12f: {  	v2 =	vld [tilespmem:$0x8040];
	_ =	sdelay $0x4  }
0x130: {  	v3 =	vshrl.u32 v2, $0x10  }
0x131: {  	v3 =	vadd.s32 v1, v3;
	_ =	sdelay $0x1  }
0x132: {  	v2 =	vshll.u32 v2, $0x10  }
0x133: {  	vm8 =	vlt.f32 v2, $0.0e+00;
	vm9 =	vgt.f32 v2, $0.0e+00  }
0x134: {  	vm0 =	vmor vm9, vm8  }
0x135: {  	v60 =	vsel vm0, $0x3F800000, v0;
	[tilespmem:v3+s13+$0x0] =	vst.idx.add.f32.msk $0xffff, v2  }
0x136: {  	[tilespmem:v3+s14+$0x0] =	vst.idx.add.f32.msk $0xffff, v60  }
0x137: {  	v2 =	vld [tilespmem:$0x8050];
	_ =	sdelay $0x4  }
0x138: {  	v3 =	vshrl.u32 v2, $0x10  }
0x139: {  	v3 =	vadd.s32 v1, v3;
	_ =	sdelay $0x1  }
0x13a: {  	v2 =	vshll.u32 v2, $0x10  }
0x13b: {  	vm10 =	vlt.f32 v2, $0.0e+00;
	vm11 =	vgt.f32 v2, $0.0e+00  }
0x13c: {  	vm0 =	vmor vm11, vm10  }
0x13d: {  	v61 =	vsel vm0, $0x3F800000, v0;
	[tilespmem:v3+s13+$0x0] =	vst.idx.add.f32.msk $0xffff, v2  }
0x13e: {  	[tilespmem:v3+s14+$0x0] =	vst.idx.add.f32.msk $0xffff, v61  }
0x13f: {  	v2 =	vld [tilespmem:$0x8060];
	_ =	sdelay $0x4  }
0x140: {  	v3 =	vshrl.u32 v2, $0x10  }
0x141: {  	v3 =	vadd.s32 v1, v3;
	_ =	sdelay $0x1  }
0x142: {  	v2 =	vshll.u32 v2, $0x10  }
0x143: {  	vm12 =	vlt.f32 v2, $0.0e+00;
	vm13 =	vgt.f32 v2, $0.0e+00  }
0x144: {  	vm0 =	vmor vm13, vm12  }
0x145: {  	v62 =	vsel vm0, $0x3F800000, v0;
	[tilespmem:v3+s13+$0x0] =	vst.idx.add.f32.msk $0xffff, v2  }
0x146: {  	[tilespmem:v3+s14+$0x0] =	vst.idx.add.f32.msk $0xffff, v62  }
0x147: {  	v2 =	vld [tilespmem:$0x8070];
	_ =	sdelay $0x4  }
0x148: {  	v3 =	vshrl.u32 v2, $0x10  }
0x149: {  	v3 =	vadd.s32 v1, v3  }
0x14a: {  	p0 =	sne.s32 s22, $0x1  }
.Ltmp4:
0x14b: {  	v2 =	vshll.u32 v2, $0x10;
	(pc) =	sbr.rel @p0 .LBB2_10-.Ltmp4, $4  }
0x14c: {  	vm14 =	vlt.f32 v2, $0.0e+00;
	vm15 =	vgt.f32 v2, $0.0e+00  }
0x14d: {  	vm0 =	vmor vm15, vm14  }
0x14e: {  	v63 =	vsel vm0, $0x3F800000, v0;
	[tilespmem:v3+s13+$0x0] =	vst.idx.add.f32.msk $0xffff, v2  }
0x14f: {  	s22 =	sadd.s32 $0xFFFFFFFF, s22;
	s23 =	sadd.s32 $0x10, s23;
	[tilespmem:v3+s14+$0x0] =	vst.idx.add.f32.msk $0xffff, v63  }
0x150: {  	s22 =	simm.s32 $0x0  }
0x151: {  	v2 =	vld [tilespmem:s22+$0xC200]  }
0x152: {  	v3 =	vld [tilespmem:s22+$0x8080]  }
0x153: {  	v4 =	vld [tilespmem:s22+$0xC611]  }
0x154: {  	v5 =	vld [tilespmem:s22+$0x8491]  }
0x155: {  	v6 =	vld [tilespmem:s22+$0xCA22]  }
0x156: {  	v7 =	vld [tilespmem:s22+$0x88A2];
	v2 =	vadd.f32 $0.0e+00, v2  }
0x157: {  	v8 =	vld [tilespmem:s22+$0xCE33];
	v3 =	vadd.f32 $0.0e+00, v3  }
0x158: {  	v2 =	vadd.f32 v4, v2;
	v4 =	vld [tilespmem:s22+$0x8CB3]  }
0x159: {  	v9 =	vld [tilespmem:s22+$0xD244];
	v3 =	vadd.f32 v5, v3  }
0x15a: {  	v5 =	vld [tilespmem:s22+$0x90C4];
	v2 =	vadd.f32 v6, v2  }
0x15b: {  	v6 =	vld [tilespmem:s22+$0xD655];
	v3 =	vadd.f32 v7, v3  }
0x15c: {  	v7 =	vld [tilespmem:s22+$0x94D5];
	v2 =	vadd.f32 v8, v2  }
0x15d: {  	v8 =	vld [tilespmem:s22+$0xDA66];
	v3 =	vadd.f32 v4, v3  }
0x15e: {  	v4 =	vld [tilespmem:s22+$0x98E6];
	v2 =	vadd.f32 v9, v2  }
0x15f: {  	v9 =	vld [tilespmem:s22+$0xDE77];
	v3 =	vadd.f32 v5, v3  }
0x160: {  	v5 =	vld [tilespmem:s22+$0x9CF7];
	v2 =	vadd.f32 v6, v2  }
0x161: {  	v6 =	vld [tilespmem:s22+$0xE288];
	v3 =	vadd.f32 v7, v3  }
0x162: {  	v7 =	vld [tilespmem:s22+$0xA108];
	v2 =	vadd.f32 v8, v2  }
0x163: {  	v8 =	vld [tilespmem:s22+$0xE699];
	v3 =	vadd.f32 v4, v3  }
0x164: {  	v4 =	vld [tilespmem:s22+$0xA519];
	v2 =	vadd.f32 v9, v2  }
0x165: {  	v9 =	vld [tilespmem:s22+$0xEAAA];
	v3 =	vadd.f32 v5, v3  }
0x166: {  	v5 =	vld [tilespmem:s22+$0xA92A];
	v2 =	vadd.f32 v6, v2  }
0x167: {  	v6 =	vld [tilespmem:s22+$0xEEBB];
	v3 =	vadd.f32 v7, v3  }
0x168: {  	v7 =	vld [tilespmem:s22+$0xAD3B];
	v2 =	vadd.f32 v8, v2  }
0x169: {  	v8 =	vld [tilespmem:s22+$0xF2CC];
	v3 =	vadd.f32 v4, v3  }
0x16a: {  	v2 =	vadd.f32 v9, v2;
	v9 =	vld [tilespmem:s22+$0xB14C]  }
0x16b: {  	v10 =	vld [tilespmem:s22+$0xF6DD];
	v4 =	vadd.f32 v5, v3  }
0x16c: {  	v5 =	vadd.f32 v6, v2;
	v2 =	vld [tilespmem:s22+$0xB55D]  }
0x16d: {  	v3 =	vld [tilespmem:s22+$0xFAEE];
	v6 =	vadd.f32 v7, v4  }
0x16e: {  	v4 =	vld [tilespmem:s22+$0xB96E];
	v8 =	vadd.f32 v8, v5  }
0x16f: {  	v5 =	vld [tilespmem:s22+$0xFEFF];
	v7 =	vadd.f32 v9, v6  }
0x170: {  	s23 =	simm.s32 $0x10;
	s24 =	simm.s32 $0x80;
	v6 =	vld [tilespmem:s22+$0xBD7F];
	v8 =	vadd.f32 v10, v8  }
.LBB2_12:
0x171: {  	p0 =	sne.s32 s24, $0xFC0;
	v9 =	vld [tilespmem:s23+$0xC200];
	v2 =	vadd.f32 v2, v7  }
0x172: {  	v7 =	vld [tilespmem:s23+$0x8080];
	v3 =	vadd.f32 v3, v8  }
0x173: {  	v8 =	vld [tilespmem:s23+$0xC611];
	v2 =	vadd.f32 v4, v2  }
0x174: {  	v4 =	vld [tilespmem:s23+$0x8491];
	v3 =	vadd.f32 v5, v3  }
0x175: {  	v5 =	vld [tilespmem:s23+$0xCA22];
	v2 =	vadd.f32 v6, v2  }
0x176: {  	v6 =	vadd.f32 $0.0e+00, v9;
	v9 =	vld [tilespmem:s23+$0x88A2];
	[tilespmem:s22+$0x10780] =	vst v3  }
0x177: {  	v3 =	vadd.f32 $0.0e+00, v7;
	v7 =	vld [tilespmem:s23+$0xCE33];
	[tilespmem:s22+$0x10380] =	vst v2;
	s22 =	smov.u32 s23  }
0x178: {  	v2 =	vadd.f32 v8, v6;
	v6 =	vld [tilespmem:s22+$0x8CB3]  }
0x179: {  	v3 =	vadd.f32 v4, v3;
	v4 =	vld [tilespmem:s22+$0xD244]  }
0x17a: {  	v2 =	vadd.f32 v5, v2;
	v5 =	vld [tilespmem:s22+$0x90C4]  }
0x17b: {  	v3 =	vadd.f32 v9, v3;
	v8 =	vld [tilespmem:s22+$0xD655]  }
0x17c: {  	v2 =	vadd.f32 v7, v2;
	v7 =	vld [tilespmem:s22+$0x94D5]  }
0x17d: {  	v3 =	vadd.f32 v6, v3;
	v6 =	vld [tilespmem:s22+$0xDA66]  }
0x17e: {  	v2 =	vadd.f32 v4, v2;
	v4 =	vld [tilespmem:s22+$0x98E6]  }
0x17f: {  	v3 =	vadd.f32 v5, v3;
	v5 =	vld [tilespmem:s22+$0xDE77]  }
0x180: {  	v2 =	vadd.f32 v8, v2;
	v8 =	vld [tilespmem:s22+$0x9CF7]  }
0x181: {  	v3 =	vadd.f32 v7, v3;
	v7 =	vld [tilespmem:s22+$0xE288]  }
0x182: {  	v2 =	vadd.f32 v6, v2;
	v6 =	vld [tilespmem:s22+$0xA108]  }
0x183: {  	v3 =	vadd.f32 v4, v3;
	v4 =	vld [tilespmem:s22+$0xE699]  }
0x184: {  	v2 =	vadd.f32 v5, v2;
	v5 =	vld [tilespmem:s22+$0xA519]  }
0x185: {  	v3 =	vadd.f32 v8, v3;
	v8 =	vld [tilespmem:s22+$0xEAAA]  }
0x186: {  	v2 =	vadd.f32 v7, v2;
	v7 =	vld [tilespmem:s22+$0xA92A]  }
0x187: {  	v3 =	vadd.f32 v6, v3;
	v6 =	vld [tilespmem:s22+$0xEEBB]  }
0x188: {  	v2 =	vadd.f32 v4, v2;
	v4 =	vld [tilespmem:s22+$0xAD3B]  }
0x189: {  	v3 =	vadd.f32 v5, v3;
	v5 =	vld [tilespmem:s22+$0xF2CC]  }
0x18a: {  	v2 =	vadd.f32 v8, v2;
	v8 =	vld [tilespmem:s22+$0xB14C]  }
0x18b: {  	v3 =	vadd.f32 v7, v3;
	v9 =	vld [tilespmem:s22+$0xF6DD]  }
.Ltmp5:
0x18c: {  	v6 =	vadd.f32 v6, v2;
	v2 =	vld [tilespmem:s22+$0xB55D];
	(pc) =	sbr.rel @p0 .LBB2_12-.Ltmp5, $4  }
0x18d: {  	v7 =	vadd.f32 v4, v3;
	v3 =	vld [tilespmem:s22+$0xFAEE]  }
0x18e: {  	v6 =	vadd.f32 v5, v6;
	v4 =	vld [tilespmem:s22+$0xB96E]  }
0x18f: {  	v7 =	vadd.f32 v8, v7;
	v5 =	vld [tilespmem:s22+$0xFEFF]  }
0x190: {  	s23 =	sshra.s32 s24, $0x2;
	s24 =	sadd.s32 $0x40, s24;
	v8 =	vadd.f32 v9, v6;
	v6 =	vld [tilespmem:s22+$0xBD7F]  }
0x191: {  	v9 =	vld [tilespmem:s23+$0xC200];
	v2 =	vadd.f32 v2, v7  }
0x192: {  	v10 =	vld [tilespmem:s23+$0x8080];
	v3 =	vadd.f32 v3, v8  }
0x193: {  	v33 =	vld [tilespmem:s23+$0xC611];
	v2 =	vadd.f32 v4, v2  }
0x194: {  	v34 =	vld [tilespmem:s23+$0x8491];
	v3 =	vadd.f32 v5, v3  }
0x195: {  	v35 =	vld [tilespmem:s23+$0xCA22];
	v2 =	vadd.f32 v6, v2  }
0x196: {  	v36 =	vld [tilespmem:s23+$0x88A2];
	[tilespmem:s22+$0x10780] =	vst v3;
	v3 =	vadd.f32 $0.0e+00, v9  }
0x197: {  	v38 =	vadd.f32 $0.0e+00, v10;
	v37 =	vld [tilespmem:s23+$0xCE33];
	[tilespmem:s22+$0x10380] =	vst v2  }
0x198: {  	v2 =	vadd.f32 v33, v3;
	v3 =	vld [tilespmem:s23+$0x8CB3]  }
0x199: {  	v39 =	vadd.f32 v34, v38;
	v40 =	vld [tilespmem:s23+$0xD244]  }
0x19a: {  	v41 =	vld [tilespmem:s23+$0x90C4];
	v2 =	vadd.f32 v35, v2  }
0x19b: {  	v42 =	vld [tilespmem:s23+$0xD655];
	v5 =	vadd.f32 v36, v39  }
0x19c: {  	v43 =	vld [tilespmem:s23+$0x94D5];
	v2 =	vadd.f32 v37, v2  }
0x19d: {  	v44 =	vld [tilespmem:s23+$0xDA66];
	v3 =	vadd.f32 v3, v5  }
0x19e: {  	v45 =	vld [tilespmem:s23+$0x98E6];
	v2 =	vadd.f32 v40, v2  }
0x19f: {  	v46 =	vld [tilespmem:s23+$0xDE77];
	v3 =	vadd.f32 v41, v3  }
0x1a0: {  	v47 =	vld [tilespmem:s23+$0x9CF7];
	v2 =	vadd.f32 v42, v2  }
0x1a1: {  	v48 =	vld [tilespmem:s23+$0xE288];
	v3 =	vadd.f32 v43, v3  }
0x1a2: {  	v49 =	vld [tilespmem:s23+$0xA108];
	v2 =	vadd.f32 v44, v2  }
0x1a3: {  	v50 =	vld [tilespmem:s23+$0xE699];
	v3 =	vadd.f32 v45, v3  }
0x1a4: {  	v51 =	vld [tilespmem:s23+$0xA519];
	v2 =	vadd.f32 v46, v2  }
0x1a5: {  	v52 =	vld [tilespmem:s23+$0xEAAA];
	v3 =	vadd.f32 v47, v3  }
0x1a6: {  	v53 =	vld [tilespmem:s23+$0xA92A];
	v2 =	vadd.f32 v48, v2  }
0x1a7: {  	v54 =	vld [tilespmem:s23+$0xEEBB];
	v3 =	vadd.f32 v49, v3  }
0x1a8: {  	v55 =	vld [tilespmem:s23+$0xAD3B];
	v2 =	vadd.f32 v50, v2  }
0x1a9: {  	v56 =	vld [tilespmem:s23+$0xF2CC];
	v3 =	vadd.f32 v51, v3  }
0x1aa: {  	v57 =	vld [tilespmem:s23+$0xB14C];
	v2 =	vadd.f32 v52, v2  }
0x1ab: {  	v58 =	vld [tilespmem:s23+$0xF6DD];
	v3 =	vadd.f32 v53, v3  }
0x1ac: {  	v59 =	vld [tilespmem:s23+$0xB55D];
	v2 =	vadd.f32 v54, v2  }
0x1ad: {  	v60 =	vld [tilespmem:s23+$0xFAEE];
	v3 =	vadd.f32 v55, v3  }
0x1ae: {  	v61 =	vld [tilespmem:s23+$0xB96E];
	v2 =	vadd.f32 v56, v2  }
0x1af: {  	v62 =	vld [tilespmem:s23+$0xFEFF];
	v3 =	vadd.f32 v57, v3  }
0x1b0: {  	v63 =	vld [tilespmem:s23+$0xBD7F];
	v2 =	vadd.f32 v58, v2  }
0x1b1: {  	v3 =	vadd.f32 v59, v3  }
0x1b2: {  	v2 =	vadd.f32 v60, v2  }
0x1b3: {  	v3 =	vadd.f32 v61, v3  }
0x1b4: {  	v2 =	vadd.f32 v62, v2  }
0x1b5: {  	v3 =	vadd.f32 v63, v3  }
0x1b6: {  	[tilespmem:s23+$0x10780] =	vst v2  }
0x1b7: {  	[tilespmem:s23+$0x10380] =	vst v3  }
0x1b8: {  	[hbm4b:s7+s18] =	stream.strided.scatter [tilespmem:s20], [sflag:$0x3], $0x400, s19, s18, $0x38;
	[tilespmem:$0x10B80] =	vst v63  }
0x1b9: {  	s2 =	sadd.s32 $0x1, s2;
	_ =	swait.ge [sflag:s17], $0x400  }
0x1ba: {  	p0 =	sne.s32 s2, s9;
	[sflag:s17] =	ssyncset.done $0x0  }
.Ltmp6:
0x1bb: {  	[sflag:s17] =	ssyncadd.s32 $0xFFFFFC00;
	(pc) =	sbr.rel @p0 .LBB2_1-.Ltmp6, $4  }
0x1bc: {  	[hbm4b:s8+s18] =	stream.strided.scatter [tilespmem:s21], [sflag:$0x3], $0x400, s19, s18, $0x38;
	[tilespmem:$0x10B80] =	vst v63  }
0x1bd: {  	_ =	swait.ge [sflag:s17], $0x400  }
0x1be: {  	[sflag:s17] =	ssyncset.done $0x0  }
0x1bf: {  	[sflag:s17] =	ssyncadd.s32 $0xFFFFFC00  }
0x1c0: {  	_ =	sfence.sel $0x180000  }
0x1c1: {  	[bflag:$0x0] =	sbarrier.arrive $0xFFFF  }
0x1c2: {  	p0 =	sne.s32 s1, $0x0;
	_ =	strace $0x90000047  }
0x1c3: {  	s0 =	sadd.s32 @!p0 $0x100000, s0;
	[bflag:$0x2] =	sbarrier.arrive $0xFFFF  }
0x1c4: {  	[sflag:s0] =	ssyncadd.tile.s32 @!p0 $0x1;
	_ =	shalt  }
.Lfunc_end2:
_tile_overlayer_lowered:
.L_overlay_start_2:
0x1c5: {  	(tag) =	ssettag $0x2  }
0x1c6: {  	s0 =	rddreg [dreg:$0x0];
	s2 =	stileid.u32  }
0x1c7: {  	s1 =	rddreg [dreg:$0x1];
	p0 =	sne.s32 s2, $0x0  }
0x1c8: {  	s3 =	rddreg [dreg:$0x2];
	[bflag:$0x3] =	sbarrier.arrive $0xFFFF;
	s2 =	simm.s32 @!p0 $0x1C03  }
0x1c9: {  	[timem:s3], [sflag:s2] =	dma.local @!p0 [hbm:s0], s1  }
0x1ca: {  	s0 =	simm.s32 @!p0 $0x3  }
0x1cb: {  	_ =	swait.ge @!p0 [sflag:s0], s1  }
0x1cc: {  	s1 =	ssub.s32 @!p0 $0x0, s1;
	[sflag:s0] =	ssyncset.done @!p0 $0x0  }
0x1cd: {  	[sflag:s0] =	ssyncadd.s32 @!p0 s1  }
0x1ce: {  	[bflag:$0x3] =	sbarrier.arrive $0xFFFF  }
0x1cf: {  	_ =	shalt  }

</sc_bundles>
